<compile_context>
chip_gen: v7x
topology: tpu7x:2x2x1
jax: 0.10.2.dev20260603
libtpu: 0.0.44.dev20260713+nightly
codegen_flags: <defaults>
</compile_context>

<pallas_src>
import functools

import jax
import jax.numpy as jnp
from jax import lax
from jax.experimental import pallas as pl
from jax.experimental.pallas import tpu as pltpu
from jax.experimental.pallas import tpu_sc as plsc

B, N, D = 4096, 200, 128
NC, NS, L = 2, 16, 16
NW = NC * NS
HALVES = 2
HB = B // HALVES
BPW = HB // NW


def _sc_gather_body(h, table, idx1_hbm, idx2_hbm, ll_hbm,
                    idx_v1, idx_v2, rows1, rows2, sem1, sem2, sem3, sem4):
    wid = lax.axis_index("s") * NC + lax.axis_index("c")
    lbase = wid * BPW
    base = h * HB + lbase
    ci1 = pltpu.async_copy(idx1_hbm.at[pl.ds(base, BPW)], idx_v1, sem1)
    ci2 = pltpu.async_copy(idx2_hbm.at[pl.ds(base, BPW)], idx_v2, sem2)
    ci1.wait()
    ci2.wait()
    lane = lax.iota(jnp.int32, L) * N
    for i in range(BPW // L):
        off = lane + (base + i * L) * N
        sl = pl.ds(i * L, L)
        idx_v1[sl] = idx_v1[sl] + off
        idx_v2[sl] = idx_v2[sl] + off
    c1 = pltpu.async_copy(table.at[idx_v1], rows1, sem1)
    c2 = pltpu.async_copy(table.at[idx_v2], rows2, sem2)
    c1.wait()
    o1 = pltpu.async_copy(rows1, ll_hbm.at[pl.ds(lbase, BPW), pl.ds(0, D)],
                          sem3)
    c2.wait()
    o2 = pltpu.async_copy(rows2, ll_hbm.at[pl.ds(lbase, BPW), pl.ds(D, D)],
                          sem4)
    o1.wait()
    o2.wait()


@functools.cache
def _sc_gather(h):
    return pl.kernel(
        functools.partial(_sc_gather_body, h),
        out_type=jax.ShapeDtypeStruct((HB, 2 * D), jnp.float32),
        mesh=plsc.VectorSubcoreMesh(
            core_axis_name="c", subcore_axis_name="s",
            num_cores=NC, num_subcores=NS,
        ),
        scratch_types=[
            pltpu.VMEM((BPW,), jnp.int32),
            pltpu.VMEM((BPW,), jnp.int32),
            pltpu.VMEM((BPW, D), jnp.float32),
            pltpu.VMEM((BPW, D), jnp.float32),
            pltpu.SemaphoreType.DMA,
            pltpu.SemaphoreType.DMA,
            pltpu.SemaphoreType.DMA,
            pltpu.SemaphoreType.DMA,
        ],
    )


def _tc_linear_first_body(ll_ref, r1_ref, r2_ref, wr_ref, wl_ref, out_ref):
    wf = jnp.dot(wr_ref[...], wl_ref[2 * D:, :],
                 preferred_element_type=jnp.float32)
    ratio = r1_ref[...] / r2_ref[...]
    acc = jnp.dot(ll_ref[...], wl_ref[:2 * D, :],
                  preferred_element_type=jnp.float32)
    out_ref[...] = acc + ratio * wf


def _tc_linear_second_body(prev_ref, ll_ref, r1_ref, r2_ref, wr_ref, wl_ref,
                           out_ref):
    del prev_ref
    _tc_linear_first_body(ll_ref, r1_ref, r2_ref, wr_ref, wl_ref, out_ref)


@functools.cache
def _tc_linear(h):
    common_in_specs = [
        pl.BlockSpec((HB, 2 * D), lambda i: (0, 0)),
        pl.BlockSpec((HB, 1), lambda i, h=h: (h, 0)),
        pl.BlockSpec((HB, 1), lambda i, h=h: (h, 0)),
        pl.BlockSpec((1, D), lambda i: (0, 0)),
        pl.BlockSpec((3 * D, D), lambda i: (0, 0)),
    ]
    if h == 0:
        body = _tc_linear_first_body
        in_specs = common_in_specs
        aliases = {}
    else:
        body = _tc_linear_second_body
        in_specs = [pl.BlockSpec((8, D), lambda i: (0, 0))] + common_in_specs
        aliases = {0: 0}
    return pl.pallas_call(
        body,
        grid=(1,),
        in_specs=in_specs,
        out_specs=pl.BlockSpec((HB, D), lambda i, h=h: (h, 0)),
        out_shape=jax.ShapeDtypeStruct((B, D), jnp.float32),
        input_output_aliases=aliases,
    )


def kernel(encoded_row, loadlock1_wafer_in, loadlock2_wafer_in, W_ratio,
           W_lin, loadlock1_wafer_recipe, loadlock2_wafer_recipe):
    table = encoded_row.reshape(B * N, D)
    ll0 = _sc_gather(0)(table, loadlock1_wafer_recipe, loadlock2_wafer_recipe)
    ll1 = _sc_gather(1)(table, loadlock1_wafer_recipe, loadlock2_wafer_recipe)
    out = _tc_linear(0)(ll0, loadlock1_wafer_in, loadlock2_wafer_in,
                        W_ratio, W_lin)
    return _tc_linear(1)(out, ll1, loadlock1_wafer_in, loadlock2_wafer_in,
                         W_ratio, W_lin)

# --- scband reference (transcript-rebuilt; emitter-appended) ---
"""Pipeline reference for scband-loadport-context-7447473291810 (READ-ONLY COPY).

The authoritative reference and input builder live on the scoring server;
editing this copy changes nothing except your own understanding.
"""

import jax, jax.numpy as jnp
import numpy as np

B, N, D = 4096, 200, 128

def setup_inputs(seed: int = 0):
    key = jax.random.key(seed)
    ks = jax.random.split(key, 6)
    encoded_row = jax.random.normal(ks[0], (B, N, D), dtype=jnp.float32)
    loadlock1_wafer_recipe = jax.random.randint(ks[1], (B,), 0, N, dtype=jnp.int32)
    loadlock2_wafer_recipe = jax.random.randint(ks[2], (B,), 0, N, dtype=jnp.int32)
    loadlock1_wafer_in = jax.random.uniform(ks[3], (B, 1), dtype=jnp.float32, minval=0.1, maxval=1.0)
    loadlock2_wafer_in = jnp.ones((B, 1), dtype=jnp.float32)
    # nn.Linear(1, D, bias=False): weight [D,1]; apply as x @ W.T -> store as [1, D]
    W_ratio = (jax.random.normal(ks[4], (1, D), dtype=jnp.float32) / jnp.sqrt(1.0))
    # nn.Linear(3D, D, bias=False): stored as [3D, D] for x @ W
    W_lin = (jax.random.normal(ks[5], (3 * D, D), dtype=jnp.float32) / jnp.sqrt(3.0 * D))
    return {
        'encoded_row': encoded_row,
        'loadlock1_wafer_in': loadlock1_wafer_in,
        'loadlock2_wafer_in': loadlock2_wafer_in,
        'W_ratio': W_ratio,
        'W_lin': W_lin,
        'loadlock1_wafer_recipe': loadlock1_wafer_recipe,
        'loadlock2_wafer_recipe': loadlock2_wafer_recipe,
    }

def _gather_by_index(src, idx):
    # src: [B, N, D], idx: [B] -> [B, D]
    return src[jnp.arange(src.shape[0]), idx]

def reference(encoded_row, loadlock1_wafer_in, loadlock2_wafer_in, W_ratio, W_lin, loadlock1_wafer_recipe, loadlock2_wafer_recipe):
    ll1 = _gather_by_index(encoded_row, loadlock1_wafer_recipe)
    ll2 = _gather_by_index(encoded_row, loadlock2_wafer_recipe)
    ratio = loadlock1_wafer_in / loadlock2_wafer_in
    ratio_embedding = ratio @ W_ratio
    ll_context = jnp.concatenate([ll1, ll2, ratio_embedding], axis=-1) @ W_lin
    return ll_context

if __name__ == "__main__":
    import jax
    _d = setup_inputs()
    print(jax.jit(kernel)(*tuple(_d.values())))

</pallas_src>

<mosaic_0001>
#map = affine_map<(d0, d1) -> (0, 0)>
#map1 = affine_map<(d0, d1) -> (0)>
module attributes {stable_mosaic.version = 14 : i64} {
  func.func @_sc_gather_body(%arg0: i32, %arg1: i32, %arg2: memref<819200x128xf32, #tpu.memory_space<hbm>>, %arg3: memref<4096xi32, #tpu.memory_space<hbm>>, %arg4: memref<4096xi32, #tpu.memory_space<hbm>>, %arg5: memref<2048x256xf32, #tpu.memory_space<hbm>>, %arg6: memref<64xi32, #tpu.memory_space<vmem>>, %arg7: memref<64xi32, #tpu.memory_space<vmem>>, %arg8: memref<64x128xf32, #tpu.memory_space<vmem>>, %arg9: memref<64x128xf32, #tpu.memory_space<vmem>>, %arg10: memref<!tpu.dma_semaphore, #tpu.memory_space<semaphore_mem>>, %arg11: memref<!tpu.dma_semaphore, #tpu.memory_space<semaphore_mem>>, %arg12: memref<!tpu.dma_semaphore, #tpu.memory_space<semaphore_mem>>, %arg13: memref<!tpu.dma_semaphore, #tpu.memory_space<semaphore_mem>>) attributes {dimension_semantics = [#tpu.dimension_semantics<core_parallel>, #tpu.dimension_semantics<subcore_parallel>], iteration_bounds = array<i64: 2, 16>, scalar_prefetch = 0 : i64, scratch_operands = 8 : i64, tpu.core_type = #tpu.core_type<sc_vector_subcore>, window_params = [{transform_indices = #map}, {transform_indices = #map1}, {transform_indices = #map1}, {transform_indices = #map}]} {
    %mul3A = arith.constant 2 : i32
    %mul3A_0 = arith.muli %arg1, %mul3A : i32
    %add3A = arith.addi %mul3A_0, %arg0 : i32
    %mul3A_1 = arith.constant 64 : i32
    %mul3A_2 = arith.muli %add3A, %mul3A_1 : i32
    %add3A_3 = arith.constant 0 : i32
    %add3A_4 = arith.addi %add3A_3, %mul3A_2 : i32
    %dma_start3A = tpu.memref_slice %arg3[%add3A_4] : memref<4096xi32, #tpu.memory_space<hbm>> -> memref<64xi32, #tpu.memory_space<hbm>>
    %dma_start3A_5 = tpu.memref_slice %arg3[%add3A_4] : memref<4096xi32, #tpu.memory_space<hbm>> -> memref<64xi32, #tpu.memory_space<hbm>>
    tpu.enqueue_dma source(%dma_start3A_5 : memref<64xi32, #tpu.memory_space<hbm>>) target(%arg6 : memref<64xi32, #tpu.memory_space<vmem>>) target_semaphore(%arg10 : memref<!tpu.dma_semaphore, #tpu.memory_space<semaphore_mem>>)
    %dma_start3A_6 = tpu.memref_slice %arg4[%add3A_4] : memref<4096xi32, #tpu.memory_space<hbm>> -> memref<64xi32, #tpu.memory_space<hbm>>
    %dma_start3A_7 = tpu.memref_slice %arg4[%add3A_4] : memref<4096xi32, #tpu.memory_space<hbm>> -> memref<64xi32, #tpu.memory_space<hbm>>
    tpu.enqueue_dma source(%dma_start3A_7 : memref<64xi32, #tpu.memory_space<hbm>>) target(%arg7 : memref<64xi32, #tpu.memory_space<vmem>>) target_semaphore(%arg11 : memref<!tpu.dma_semaphore, #tpu.memory_space<semaphore_mem>>)
    %dma_wait3A = tpu.memref_slice %arg3[%add3A_4] : memref<4096xi32, #tpu.memory_space<hbm>> -> memref<64xi32, #tpu.memory_space<hbm>>
    %dma_wait3A_8 = tpu.memref_slice %arg3[%add3A_4] : memref<4096xi32, #tpu.memory_space<hbm>> -> memref<64xi32, #tpu.memory_space<hbm>>
    tpu.wait_dma2 semaphore(%arg10 : memref<!tpu.dma_semaphore, #tpu.memory_space<semaphore_mem>>) src(%dma_wait3A_8 : memref<64xi32, #tpu.memory_space<hbm>>) dst(%arg6 : memref<64xi32, #tpu.memory_space<vmem>>)
    %dma_wait3A_9 = tpu.memref_slice %arg4[%add3A_4] : memref<4096xi32, #tpu.memory_space<hbm>> -> memref<64xi32, #tpu.memory_space<hbm>>
    %dma_wait3A_10 = tpu.memref_slice %arg4[%add3A_4] : memref<4096xi32, #tpu.memory_space<hbm>> -> memref<64xi32, #tpu.memory_space<hbm>>
    tpu.wait_dma2 semaphore(%arg11 : memref<!tpu.dma_semaphore, #tpu.memory_space<semaphore_mem>>) src(%dma_wait3A_10 : memref<64xi32, #tpu.memory_space<hbm>>) dst(%arg7 : memref<64xi32, #tpu.memory_space<vmem>>)
    %iota3A = tpu.iota {dimensions = array<i32: 0>} : vector<16xi32>
    %mul3A_11 = arith.constant 200 : i32
    %mul3A_12 = vector.broadcast %mul3A_11 : i32 to vector<16xi32>
    %mul3A_13 = arith.muli %iota3A, %mul3A_12 : vector<16xi32>
    %add3A_14 = arith.constant 0 : i32
    %add3A_15 = arith.addi %add3A_4, %add3A_14 : i32
    %mul3A_16 = arith.constant 200 : i32
    %mul3A_17 = arith.muli %add3A_15, %mul3A_16 : i32
    %add3A_18 = vector.broadcast %mul3A_17 : i32 to vector<16xi32>
    %add3A_19 = arith.addi %mul3A_13, %add3A_18 : vector<16xi32>
    %get3A = arith.constant 0 : index
    %get3A_20 = tpu.vector_load %arg6[%get3A] {strides = array<i32>} : memref<64xi32, #tpu.memory_space<vmem>>, vector<16xi32>,
    %get3A_21 = vector.shape_cast %get3A_20 : vector<16xi32> to vector<16xi32>
    %add3A_22 = arith.addi %get3A_21, %add3A_19 : vector<16xi32>
    %swap3A = arith.constant 0 : index
    %swap3A_23 = tpu.vector_load %arg6[%swap3A] {strides = array<i32>} : memref<64xi32, #tpu.memory_space<vmem>>, vector<16xi32>,
    %swap3A_24 = vector.shape_cast %swap3A_23 : vector<16xi32> to vector<16xi32>
    %swap3A_25 = vector.shape_cast %add3A_22 : vector<16xi32> to vector<16xi32>
    tpu.vector_store %arg6[%swap3A], %swap3A_25 {strides = array<i32>} : memref<64xi32, #tpu.memory_space<vmem>>, vector<16xi32>,
    %get3A_26 = arith.constant 0 : index
    %get3A_27 = tpu.vector_load %arg7[%get3A_26] {strides = array<i32>} : memref<64xi32, #tpu.memory_space<vmem>>, vector<16xi32>,
    %get3A_28 = vector.shape_cast %get3A_27 : vector<16xi32> to vector<16xi32>
    %add3A_29 = arith.addi %get3A_28, %add3A_19 : vector<16xi32>
    %swap3A_30 = arith.constant 0 : index
    %swap3A_31 = tpu.vector_load %arg7[%swap3A_30] {strides = array<i32>} : memref<64xi32, #tpu.memory_space<vmem>>, vector<16xi32>,
    %swap3A_32 = vector.shape_cast %swap3A_31 : vector<16xi32> to vector<16xi32>
    %swap3A_33 = vector.shape_cast %add3A_29 : vector<16xi32> to vector<16xi32>
    tpu.vector_store %arg7[%swap3A_30], %swap3A_33 {strides = array<i32>} : memref<64xi32, #tpu.memory_space<vmem>>, vector<16xi32>,
    %add3A_34 = arith.constant 16 : i32
    %add3A_35 = arith.addi %add3A_4, %add3A_34 : i32
    %mul3A_36 = arith.constant 200 : i32
    %mul3A_37 = arith.muli %add3A_35, %mul3A_36 : i32
    %add3A_38 = vector.broadcast %mul3A_37 : i32 to vector<16xi32>
    %add3A_39 = arith.addi %mul3A_13, %add3A_38 : vector<16xi32>
    %get3A_40 = arith.constant 16 : index
    %get3A_41 = tpu.vector_load %arg6[%get3A_40] {strides = array<i32>} : memref<64xi32, #tpu.memory_space<vmem>>, vector<16xi32>,
    %get3A_42 = vector.shape_cast %get3A_41 : vector<16xi32> to vector<16xi32>
    %add3A_43 = arith.addi %get3A_42, %add3A_39 : vector<16xi32>
    %swap3A_44 = arith.constant 16 : index
    %swap3A_45 = tpu.vector_load %arg6[%swap3A_44] {strides = array<i32>} : memref<64xi32, #tpu.memory_space<vmem>>, vector<16xi32>,
    %swap3A_46 = vector.shape_cast %swap3A_45 : vector<16xi32> to vector<16xi32>
    %swap3A_47 = vector.shape_cast %add3A_43 : vector<16xi32> to vector<16xi32>
    tpu.vector_store %arg6[%swap3A_44], %swap3A_47 {strides = array<i32>} : memref<64xi32, #tpu.memory_space<vmem>>, vector<16xi32>,
    %get3A_48 = arith.constant 16 : index
    %get3A_49 = tpu.vector_load %arg7[%get3A_48] {strides = array<i32>} : memref<64xi32, #tpu.memory_space<vmem>>, vector<16xi32>,
    %get3A_50 = vector.shape_cast %get3A_49 : vector<16xi32> to vector<16xi32>
    %add3A_51 = arith.addi %get3A_50, %add3A_39 : vector<16xi32>
    %swap3A_52 = arith.constant 16 : index
    %swap3A_53 = tpu.vector_load %arg7[%swap3A_52] {strides = array<i32>} : memref<64xi32, #tpu.memory_space<vmem>>, vector<16xi32>,
    %swap3A_54 = vector.shape_cast %swap3A_53 : vector<16xi32> to vector<16xi32>
    %swap3A_55 = vector.shape_cast %add3A_51 : vector<16xi32> to vector<16xi32>
    tpu.vector_store %arg7[%swap3A_52], %swap3A_55 {strides = array<i32>} : memref<64xi32, #tpu.memory_space<vmem>>, vector<16xi32>,
    %add3A_56 = arith.constant 32 : i32
    %add3A_57 = arith.addi %add3A_4, %add3A_56 : i32
    %mul3A_58 = arith.constant 200 : i32
    %mul3A_59 = arith.muli %add3A_57, %mul3A_58 : i32
    %add3A_60 = vector.broadcast %mul3A_59 : i32 to vector<16xi32>
    %add3A_61 = arith.addi %mul3A_13, %add3A_60 : vector<16xi32>
    %get3A_62 = arith.constant 32 : index
    %get3A_63 = tpu.vector_load %arg6[%get3A_62] {strides = array<i32>} : memref<64xi32, #tpu.memory_space<vmem>>, vector<16xi32>,
    %get3A_64 = vector.shape_cast %get3A_63 : vector<16xi32> to vector<16xi32>
    %add3A_65 = arith.addi %get3A_64, %add3A_61 : vector<16xi32>
    %swap3A_66 = arith.constant 32 : index
    %swap3A_67 = tpu.vector_load %arg6[%swap3A_66] {strides = array<i32>} : memref<64xi32, #tpu.memory_space<vmem>>, vector<16xi32>,
    %swap3A_68 = vector.shape_cast %swap3A_67 : vector<16xi32> to vector<16xi32>
    %swap3A_69 = vector.shape_cast %add3A_65 : vector<16xi32> to vector<16xi32>
    tpu.vector_store %arg6[%swap3A_66], %swap3A_69 {strides = array<i32>} : memref<64xi32, #tpu.memory_space<vmem>>, vector<16xi32>,
    %get3A_70 = arith.constant 32 : index
    %get3A_71 = tpu.vector_load %arg7[%get3A_70] {strides = array<i32>} : memref<64xi32, #tpu.memory_space<vmem>>, vector<16xi32>,
    %get3A_72 = vector.shape_cast %get3A_71 : vector<16xi32> to vector<16xi32>
    %add3A_73 = arith.addi %get3A_72, %add3A_61 : vector<16xi32>
    %swap3A_74 = arith.constant 32 : index
    %swap3A_75 = tpu.vector_load %arg7[%swap3A_74] {strides = array<i32>} : memref<64xi32, #tpu.memory_space<vmem>>, vector<16xi32>,
    %swap3A_76 = vector.shape_cast %swap3A_75 : vector<16xi32> to vector<16xi32>
    %swap3A_77 = vector.shape_cast %add3A_73 : vector<16xi32> to vector<16xi32>
    tpu.vector_store %arg7[%swap3A_74], %swap3A_77 {strides = array<i32>} : memref<64xi32, #tpu.memory_space<vmem>>, vector<16xi32>,
    %add3A_78 = arith.constant 48 : i32
    %add3A_79 = arith.addi %add3A_4, %add3A_78 : i32
    %mul3A_80 = arith.constant 200 : i32
    %mul3A_81 = arith.muli %add3A_79, %mul3A_80 : i32
    %add3A_82 = vector.broadcast %mul3A_81 : i32 to vector<16xi32>
    %add3A_83 = arith.addi %mul3A_13, %add3A_82 : vector<16xi32>
    %get3A_84 = arith.constant 48 : index
    %get3A_85 = tpu.vector_load %arg6[%get3A_84] {strides = array<i32>} : memref<64xi32, #tpu.memory_space<vmem>>, vector<16xi32>,
    %get3A_86 = vector.shape_cast %get3A_85 : vector<16xi32> to vector<16xi32>
    %add3A_87 = arith.addi %get3A_86, %add3A_83 : vector<16xi32>
    %swap3A_88 = arith.constant 48 : index
    %swap3A_89 = tpu.vector_load %arg6[%swap3A_88] {strides = array<i32>} : memref<64xi32, #tpu.memory_space<vmem>>, vector<16xi32>,
    %swap3A_90 = vector.shape_cast %swap3A_89 : vector<16xi32> to vector<16xi32>
    %swap3A_91 = vector.shape_cast %add3A_87 : vector<16xi32> to vector<16xi32>
    tpu.vector_store %arg6[%swap3A_88], %swap3A_91 {strides = array<i32>} : memref<64xi32, #tpu.memory_space<vmem>>, vector<16xi32>,
    %get3A_92 = arith.constant 48 : index
    %get3A_93 = tpu.vector_load %arg7[%get3A_92] {strides = array<i32>} : memref<64xi32, #tpu.memory_space<vmem>>, vector<16xi32>,
    %get3A_94 = vector.shape_cast %get3A_93 : vector<16xi32> to vector<16xi32>
    %add3A_95 = arith.addi %get3A_94, %add3A_83 : vector<16xi32>
    %swap3A_96 = arith.constant 48 : index
    %swap3A_97 = tpu.vector_load %arg7[%swap3A_96] {strides = array<i32>} : memref<64xi32, #tpu.memory_space<vmem>>, vector<16xi32>,
    %swap3A_98 = vector.shape_cast %swap3A_97 : vector<16xi32> to vector<16xi32>
    %swap3A_99 = vector.shape_cast %add3A_95 : vector<16xi32> to vector<16xi32>
    tpu.vector_store %arg7[%swap3A_96], %swap3A_99 {strides = array<i32>} : memref<64xi32, #tpu.memory_space<vmem>>, vector<16xi32>,
    %dma_start3A_100 = arith.constant 0 : i32
    %dma_start3A_101 = arith.constant 0 : i32
    %dma_start3A_102 = tpu.memref_slice %arg2[%dma_start3A_100, %dma_start3A_101] : memref<819200x128xf32, #tpu.memory_space<hbm>> -> memref<819200x128xf32, #tpu.memory_space<hbm>>
    tpu.enqueue_indirect_dma source(%dma_start3A_102 : memref<819200x128xf32, #tpu.memory_space<hbm>>) target(%arg8 : memref<64x128xf32, #tpu.memory_space<vmem>>) offsets(%arg6 : memref<64xi32, #tpu.memory_space<vmem>>) semaphore(%arg10 : memref<!tpu.dma_semaphore, #tpu.memory_space<semaphore_mem>>)
    %dma_start3A_103 = arith.constant 0 : i32
    %dma_start3A_104 = arith.constant 0 : i32
    %dma_start3A_105 = tpu.memref_slice %arg2[%dma_start3A_103, %dma_start3A_104] : memref<819200x128xf32, #tpu.memory_space<hbm>> -> memref<819200x128xf32, #tpu.memory_space<hbm>>
    tpu.enqueue_indirect_dma source(%dma_start3A_105 : memref<819200x128xf32, #tpu.memory_space<hbm>>) target(%arg9 : memref<64x128xf32, #tpu.memory_space<vmem>>) offsets(%arg7 : memref<64xi32, #tpu.memory_space<vmem>>) semaphore(%arg11 : memref<!tpu.dma_semaphore, #tpu.memory_space<semaphore_mem>>)
    %dma_wait3A_106 = arith.constant 0 : i32
    %dma_wait3A_107 = arith.constant 0 : i32
    %dma_wait3A_108 = tpu.memref_slice %arg2[%dma_wait3A_106, %dma_wait3A_107] : memref<819200x128xf32, #tpu.memory_space<hbm>> -> memref<819200x128xf32, #tpu.memory_space<hbm>>
    tpu.wait_indirect_dma semaphore(%arg10 : memref<!tpu.dma_semaphore, #tpu.memory_space<semaphore_mem>>) src(%dma_wait3A_108 : memref<819200x128xf32, #tpu.memory_space<hbm>>) dst(%arg8 : memref<64x128xf32, #tpu.memory_space<vmem>>)
    %dma_start3A_109 = arith.constant 0 : i32
    %dma_start3A_110 = tpu.memref_slice %arg5[%mul3A_2, %dma_start3A_109] : memref<2048x256xf32, #tpu.memory_space<hbm>> -> memref<64x128xf32, #tpu.memory_space<hbm>>
    %dma_start3A_111 = arith.constant 0 : i32
    %dma_start3A_112 = tpu.memref_slice %arg5[%mul3A_2, %dma_start3A_111] : memref<2048x256xf32, #tpu.memory_space<hbm>> -> memref<64x128xf32, #tpu.memory_space<hbm>>
    tpu.enqueue_dma source(%arg8 : memref<64x128xf32, #tpu.memory_space<vmem>>) target(%dma_start3A_112 : memref<64x128xf32, #tpu.memory_space<hbm>>) target_semaphore(%arg12 : memref<!tpu.dma_semaphore, #tpu.memory_space<semaphore_mem>>)
    %dma_wait3A_113 = arith.constant 0 : i32
    %dma_wait3A_114 = arith.constant 0 : i32
    %dma_wait3A_115 = tpu.memref_slice %arg2[%dma_wait3A_113, %dma_wait3A_114] : memref<819200x128xf32, #tpu.memory_space<hbm>> -> memref<819200x128xf32, #tpu.memory_space<hbm>>
    tpu.wait_indirect_dma semaphore(%arg11 : memref<!tpu.dma_semaphore, #tpu.memory_space<semaphore_mem>>) src(%dma_wait3A_115 : memref<819200x128xf32, #tpu.memory_space<hbm>>) dst(%arg9 : memref<64x128xf32, #tpu.memory_space<vmem>>)
    %dma_start3A_116 = arith.constant 128 : i32
    %dma_start3A_117 = tpu.memref_slice %arg5[%mul3A_2, %dma_start3A_116] : memref<2048x256xf32, #tpu.memory_space<hbm>> -> memref<64x128xf32, #tpu.memory_space<hbm>>
    %dma_start3A_118 = arith.constant 128 : i32
    %dma_start3A_119 = tpu.memref_slice %arg5[%mul3A_2, %dma_start3A_118] : memref<2048x256xf32, #tpu.memory_space<hbm>> -> memref<64x128xf32, #tpu.memory_space<hbm>>
    tpu.enqueue_dma source(%arg9 : memref<64x128xf32, #tpu.memory_space<vmem>>) target(%dma_start3A_119 : memref<64x128xf32, #tpu.memory_space<hbm>>) target_semaphore(%arg13 : memref<!tpu.dma_semaphore, #tpu.memory_space<semaphore_mem>>)
    %dma_wait3A_120 = arith.constant 0 : i32
    %dma_wait3A_121 = tpu.memref_slice %arg5[%mul3A_2, %dma_wait3A_120] : memref<2048x256xf32, #tpu.memory_space<hbm>> -> memref<64x128xf32, #tpu.memory_space<hbm>>
    %dma_wait3A_122 = arith.constant 0 : i32
    %dma_wait3A_123 = tpu.memref_slice %arg5[%mul3A_2, %dma_wait3A_122] : memref<2048x256xf32, #tpu.memory_space<hbm>> -> memref<64x128xf32, #tpu.memory_space<hbm>>
    tpu.wait_dma2 semaphore(%arg12 : memref<!tpu.dma_semaphore, #tpu.memory_space<semaphore_mem>>) src(%arg8 : memref<64x128xf32, #tpu.memory_space<vmem>>) dst(%dma_wait3A_123 : memref<64x128xf32, #tpu.memory_space<hbm>>)
    %dma_wait3A_124 = arith.constant 128 : i32
    %dma_wait3A_125 = tpu.memref_slice %arg5[%mul3A_2, %dma_wait3A_124] : memref<2048x256xf32, #tpu.memory_space<hbm>> -> memref<64x128xf32, #tpu.memory_space<hbm>>
    %dma_wait3A_126 = arith.constant 128 : i32
    %dma_wait3A_127 = tpu.memref_slice %arg5[%mul3A_2, %dma_wait3A_126] : memref<2048x256xf32, #tpu.memory_space<hbm>> -> memref<64x128xf32, #tpu.memory_space<hbm>>
    tpu.wait_dma2 semaphore(%arg13 : memref<!tpu.dma_semaphore, #tpu.memory_space<semaphore_mem>>) src(%arg9 : memref<64x128xf32, #tpu.memory_space<vmem>>) dst(%dma_wait3A_127 : memref<64x128xf32, #tpu.memory_space<hbm>>)
    return
  }
}

#map = affine_map<(d0, d1) -> (0, 0)>
#map1 = affine_map<(d0, d1) -> (0)>
module attributes {stable_mosaic.version = 14 : i64} {
  func.func @_sc_gather_body(%arg0: i32, %arg1: i32, %arg2: memref<819200x128xf32, #tpu.memory_space<hbm>>, %arg3: memref<4096xi32, #tpu.memory_space<hbm>>, %arg4: memref<4096xi32, #tpu.memory_space<hbm>>, %arg5: memref<2048x256xf32, #tpu.memory_space<hbm>>, %arg6: memref<64xi32, #tpu.memory_space<vmem>>, %arg7: memref<64xi32, #tpu.memory_space<vmem>>, %arg8: memref<64x128xf32, #tpu.memory_space<vmem>>, %arg9: memref<64x128xf32, #tpu.memory_space<vmem>>, %arg10: memref<!tpu.dma_semaphore, #tpu.memory_space<semaphore_mem>>, %arg11: memref<!tpu.dma_semaphore, #tpu.memory_space<semaphore_mem>>, %arg12: memref<!tpu.dma_semaphore, #tpu.memory_space<semaphore_mem>>, %arg13: memref<!tpu.dma_semaphore, #tpu.memory_space<semaphore_mem>>) attributes {dimension_semantics = [#tpu.dimension_semantics<core_parallel>, #tpu.dimension_semantics<subcore_parallel>], iteration_bounds = array<i64: 2, 16>, scalar_prefetch = 0 : i64, scratch_operands = 8 : i64, tpu.core_type = #tpu.core_type<sc_vector_subcore>, window_params = [{transform_indices = #map}, {transform_indices = #map1}, {transform_indices = #map1}, {transform_indices = #map}]} {
    %mul3A = arith.constant 2 : i32
    %mul3A_0 = arith.muli %arg1, %mul3A : i32
    %add3A = arith.addi %mul3A_0, %arg0 : i32
    %mul3A_1 = arith.constant 64 : i32
    %mul3A_2 = arith.muli %add3A, %mul3A_1 : i32
    %add3A_3 = arith.constant 2048 : i32
    %add3A_4 = arith.addi %add3A_3, %mul3A_2 : i32
    %dma_start3A = tpu.memref_slice %arg3[%add3A_4] : memref<4096xi32, #tpu.memory_space<hbm>> -> memref<64xi32, #tpu.memory_space<hbm>>
    %dma_start3A_5 = tpu.memref_slice %arg3[%add3A_4] : memref<4096xi32, #tpu.memory_space<hbm>> -> memref<64xi32, #tpu.memory_space<hbm>>
    tpu.enqueue_dma source(%dma_start3A_5 : memref<64xi32, #tpu.memory_space<hbm>>) target(%arg6 : memref<64xi32, #tpu.memory_space<vmem>>) target_semaphore(%arg10 : memref<!tpu.dma_semaphore, #tpu.memory_space<semaphore_mem>>)
    %dma_start3A_6 = tpu.memref_slice %arg4[%add3A_4] : memref<4096xi32, #tpu.memory_space<hbm>> -> memref<64xi32, #tpu.memory_space<hbm>>
    %dma_start3A_7 = tpu.memref_slice %arg4[%add3A_4] : memref<4096xi32, #tpu.memory_space<hbm>> -> memref<64xi32, #tpu.memory_space<hbm>>
    tpu.enqueue_dma source(%dma_start3A_7 : memref<64xi32, #tpu.memory_space<hbm>>) target(%arg7 : memref<64xi32, #tpu.memory_space<vmem>>) target_semaphore(%arg11 : memref<!tpu.dma_semaphore, #tpu.memory_space<semaphore_mem>>)
    %dma_wait3A = tpu.memref_slice %arg3[%add3A_4] : memref<4096xi32, #tpu.memory_space<hbm>> -> memref<64xi32, #tpu.memory_space<hbm>>
    %dma_wait3A_8 = tpu.memref_slice %arg3[%add3A_4] : memref<4096xi32, #tpu.memory_space<hbm>> -> memref<64xi32, #tpu.memory_space<hbm>>
    tpu.wait_dma2 semaphore(%arg10 : memref<!tpu.dma_semaphore, #tpu.memory_space<semaphore_mem>>) src(%dma_wait3A_8 : memref<64xi32, #tpu.memory_space<hbm>>) dst(%arg6 : memref<64xi32, #tpu.memory_space<vmem>>)
    %dma_wait3A_9 = tpu.memref_slice %arg4[%add3A_4] : memref<4096xi32, #tpu.memory_space<hbm>> -> memref<64xi32, #tpu.memory_space<hbm>>
    %dma_wait3A_10 = tpu.memref_slice %arg4[%add3A_4] : memref<4096xi32, #tpu.memory_space<hbm>> -> memref<64xi32, #tpu.memory_space<hbm>>
    tpu.wait_dma2 semaphore(%arg11 : memref<!tpu.dma_semaphore, #tpu.memory_space<semaphore_mem>>) src(%dma_wait3A_10 : memref<64xi32, #tpu.memory_space<hbm>>) dst(%arg7 : memref<64xi32, #tpu.memory_space<vmem>>)
    %iota3A = tpu.iota {dimensions = array<i32: 0>} : vector<16xi32>
    %mul3A_11 = arith.constant 200 : i32
    %mul3A_12 = vector.broadcast %mul3A_11 : i32 to vector<16xi32>
    %mul3A_13 = arith.muli %iota3A, %mul3A_12 : vector<16xi32>
    %add3A_14 = arith.constant 0 : i32
    %add3A_15 = arith.addi %add3A_4, %add3A_14 : i32
    %mul3A_16 = arith.constant 200 : i32
    %mul3A_17 = arith.muli %add3A_15, %mul3A_16 : i32
    %add3A_18 = vector.broadcast %mul3A_17 : i32 to vector<16xi32>
    %add3A_19 = arith.addi %mul3A_13, %add3A_18 : vector<16xi32>
    %get3A = arith.constant 0 : index
    %get3A_20 = tpu.vector_load %arg6[%get3A] {strides = array<i32>} : memref<64xi32, #tpu.memory_space<vmem>>, vector<16xi32>,
    %get3A_21 = vector.shape_cast %get3A_20 : vector<16xi32> to vector<16xi32>
    %add3A_22 = arith.addi %get3A_21, %add3A_19 : vector<16xi32>
    %swap3A = arith.constant 0 : index
    %swap3A_23 = tpu.vector_load %arg6[%swap3A] {strides = array<i32>} : memref<64xi32, #tpu.memory_space<vmem>>, vector<16xi32>,
    %swap3A_24 = vector.shape_cast %swap3A_23 : vector<16xi32> to vector<16xi32>
    %swap3A_25 = vector.shape_cast %add3A_22 : vector<16xi32> to vector<16xi32>
    tpu.vector_store %arg6[%swap3A], %swap3A_25 {strides = array<i32>} : memref<64xi32, #tpu.memory_space<vmem>>, vector<16xi32>,
    %get3A_26 = arith.constant 0 : index
    %get3A_27 = tpu.vector_load %arg7[%get3A_26] {strides = array<i32>} : memref<64xi32, #tpu.memory_space<vmem>>, vector<16xi32>,
    %get3A_28 = vector.shape_cast %get3A_27 : vector<16xi32> to vector<16xi32>
    %add3A_29 = arith.addi %get3A_28, %add3A_19 : vector<16xi32>
    %swap3A_30 = arith.constant 0 : index
    %swap3A_31 = tpu.vector_load %arg7[%swap3A_30] {strides = array<i32>} : memref<64xi32, #tpu.memory_space<vmem>>, vector<16xi32>,
    %swap3A_32 = vector.shape_cast %swap3A_31 : vector<16xi32> to vector<16xi32>
    %swap3A_33 = vector.shape_cast %add3A_29 : vector<16xi32> to vector<16xi32>
    tpu.vector_store %arg7[%swap3A_30], %swap3A_33 {strides = array<i32>} : memref<64xi32, #tpu.memory_space<vmem>>, vector<16xi32>,
    %add3A_34 = arith.constant 16 : i32
    %add3A_35 = arith.addi %add3A_4, %add3A_34 : i32
    %mul3A_36 = arith.constant 200 : i32
    %mul3A_37 = arith.muli %add3A_35, %mul3A_36 : i32
    %add3A_38 = vector.broadcast %mul3A_37 : i32 to vector<16xi32>
    %add3A_39 = arith.addi %mul3A_13, %add3A_38 : vector<16xi32>
    %get3A_40 = arith.constant 16 : index
    %get3A_41 = tpu.vector_load %arg6[%get3A_40] {strides = array<i32>} : memref<64xi32, #tpu.memory_space<vmem>>, vector<16xi32>,
    %get3A_42 = vector.shape_cast %get3A_41 : vector<16xi32> to vector<16xi32>
    %add3A_43 = arith.addi %get3A_42, %add3A_39 : vector<16xi32>
    %swap3A_44 = arith.constant 16 : index
    %swap3A_45 = tpu.vector_load %arg6[%swap3A_44] {strides = array<i32>} : memref<64xi32, #tpu.memory_space<vmem>>, vector<16xi32>,
    %swap3A_46 = vector.shape_cast %swap3A_45 : vector<16xi32> to vector<16xi32>
    %swap3A_47 = vector.shape_cast %add3A_43 : vector<16xi32> to vector<16xi32>
    tpu.vector_store %arg6[%swap3A_44], %swap3A_47 {strides = array<i32>} : memref<64xi32, #tpu.memory_space<vmem>>, vector<16xi32>,
    %get3A_48 = arith.constant 16 : index
    %get3A_49 = tpu.vector_load %arg7[%get3A_48] {strides = array<i32>} : memref<64xi32, #tpu.memory_space<vmem>>, vector<16xi32>,
    %get3A_50 = vector.shape_cast %get3A_49 : vector<16xi32> to vector<16xi32>
    %add3A_51 = arith.addi %get3A_50, %add3A_39 : vector<16xi32>
    %swap3A_52 = arith.constant 16 : index
    %swap3A_53 = tpu.vector_load %arg7[%swap3A_52] {strides = array<i32>} : memref<64xi32, #tpu.memory_space<vmem>>, vector<16xi32>,
    %swap3A_54 = vector.shape_cast %swap3A_53 : vector<16xi32> to vector<16xi32>
    %swap3A_55 = vector.shape_cast %add3A_51 : vector<16xi32> to vector<16xi32>
    tpu.vector_store %arg7[%swap3A_52], %swap3A_55 {strides = array<i32>} : memref<64xi32, #tpu.memory_space<vmem>>, vector<16xi32>,
    %add3A_56 = arith.constant 32 : i32
    %add3A_57 = arith.addi %add3A_4, %add3A_56 : i32
    %mul3A_58 = arith.constant 200 : i32
    %mul3A_59 = arith.muli %add3A_57, %mul3A_58 : i32
    %add3A_60 = vector.broadcast %mul3A_59 : i32 to vector<16xi32>
    %add3A_61 = arith.addi %mul3A_13, %add3A_60 : vector<16xi32>
    %get3A_62 = arith.constant 32 : index
    %get3A_63 = tpu.vector_load %arg6[%get3A_62] {strides = array<i32>} : memref<64xi32, #tpu.memory_space<vmem>>, vector<16xi32>,
    %get3A_64 = vector.shape_cast %get3A_63 : vector<16xi32> to vector<16xi32>
    %add3A_65 = arith.addi %get3A_64, %add3A_61 : vector<16xi32>
    %swap3A_66 = arith.constant 32 : index
    %swap3A_67 = tpu.vector_load %arg6[%swap3A_66] {strides = array<i32>} : memref<64xi32, #tpu.memory_space<vmem>>, vector<16xi32>,
    %swap3A_68 = vector.shape_cast %swap3A_67 : vector<16xi32> to vector<16xi32>
    %swap3A_69 = vector.shape_cast %add3A_65 : vector<16xi32> to vector<16xi32>
    tpu.vector_store %arg6[%swap3A_66], %swap3A_69 {strides = array<i32>} : memref<64xi32, #tpu.memory_space<vmem>>, vector<16xi32>,
    %get3A_70 = arith.constant 32 : index
    %get3A_71 = tpu.vector_load %arg7[%get3A_70] {strides = array<i32>} : memref<64xi32, #tpu.memory_space<vmem>>, vector<16xi32>,
    %get3A_72 = vector.shape_cast %get3A_71 : vector<16xi32> to vector<16xi32>
    %add3A_73 = arith.addi %get3A_72, %add3A_61 : vector<16xi32>
    %swap3A_74 = arith.constant 32 : index
    %swap3A_75 = tpu.vector_load %arg7[%swap3A_74] {strides = array<i32>} : memref<64xi32, #tpu.memory_space<vmem>>, vector<16xi32>,
    %swap3A_76 = vector.shape_cast %swap3A_75 : vector<16xi32> to vector<16xi32>
    %swap3A_77 = vector.shape_cast %add3A_73 : vector<16xi32> to vector<16xi32>
    tpu.vector_store %arg7[%swap3A_74], %swap3A_77 {strides = array<i32>} : memref<64xi32, #tpu.memory_space<vmem>>, vector<16xi32>,
    %add3A_78 = arith.constant 48 : i32
    %add3A_79 = arith.addi %add3A_4, %add3A_78 : i32
    %mul3A_80 = arith.constant 200 : i32
    %mul3A_81 = arith.muli %add3A_79, %mul3A_80 : i32
    %add3A_82 = vector.broadcast %mul3A_81 : i32 to vector<16xi32>
    %add3A_83 = arith.addi %mul3A_13, %add3A_82 : vector<16xi32>
    %get3A_84 = arith.constant 48 : index
    %get3A_85 = tpu.vector_load %arg6[%get3A_84] {strides = array<i32>} : memref<64xi32, #tpu.memory_space<vmem>>, vector<16xi32>,
    %get3A_86 = vector.shape_cast %get3A_85 : vector<16xi32> to vector<16xi32>
    %add3A_87 = arith.addi %get3A_86, %add3A_83 : vector<16xi32>
    %swap3A_88 = arith.constant 48 : index
    %swap3A_89 = tpu.vector_load %arg6[%swap3A_88] {strides = array<i32>} : memref<64xi32, #tpu.memory_space<vmem>>, vector<16xi32>,
    %swap3A_90 = vector.shape_cast %swap3A_89 : vector<16xi32> to vector<16xi32>
    %swap3A_91 = vector.shape_cast %add3A_87 : vector<16xi32> to vector<16xi32>
    tpu.vector_store %arg6[%swap3A_88], %swap3A_91 {strides = array<i32>} : memref<64xi32, #tpu.memory_space<vmem>>, vector<16xi32>,
    %get3A_92 = arith.constant 48 : index
    %get3A_93 = tpu.vector_load %arg7[%get3A_92] {strides = array<i32>} : memref<64xi32, #tpu.memory_space<vmem>>, vector<16xi32>,
    %get3A_94 = vector.shape_cast %get3A_93 : vector<16xi32> to vector<16xi32>
    %add3A_95 = arith.addi %get3A_94, %add3A_83 : vector<16xi32>
    %swap3A_96 = arith.constant 48 : index
    %swap3A_97 = tpu.vector_load %arg7[%swap3A_96] {strides = array<i32>} : memref<64xi32, #tpu.memory_space<vmem>>, vector<16xi32>,
    %swap3A_98 = vector.shape_cast %swap3A_97 : vector<16xi32> to vector<16xi32>
    %swap3A_99 = vector.shape_cast %add3A_95 : vector<16xi32> to vector<16xi32>
    tpu.vector_store %arg7[%swap3A_96], %swap3A_99 {strides = array<i32>} : memref<64xi32, #tpu.memory_space<vmem>>, vector<16xi32>,
    %dma_start3A_100 = arith.constant 0 : i32
    %dma_start3A_101 = arith.constant 0 : i32
    %dma_start3A_102 = tpu.memref_slice %arg2[%dma_start3A_100, %dma_start3A_101] : memref<819200x128xf32, #tpu.memory_space<hbm>> -> memref<819200x128xf32, #tpu.memory_space<hbm>>
    tpu.enqueue_indirect_dma source(%dma_start3A_102 : memref<819200x128xf32, #tpu.memory_space<hbm>>) target(%arg8 : memref<64x128xf32, #tpu.memory_space<vmem>>) offsets(%arg6 : memref<64xi32, #tpu.memory_space<vmem>>) semaphore(%arg10 : memref<!tpu.dma_semaphore, #tpu.memory_space<semaphore_mem>>)
    %dma_start3A_103 = arith.constant 0 : i32
    %dma_start3A_104 = arith.constant 0 : i32
    %dma_start3A_105 = tpu.memref_slice %arg2[%dma_start3A_103, %dma_start3A_104] : memref<819200x128xf32, #tpu.memory_space<hbm>> -> memref<819200x128xf32, #tpu.memory_space<hbm>>
    tpu.enqueue_indirect_dma source(%dma_start3A_105 : memref<819200x128xf32, #tpu.memory_space<hbm>>) target(%arg9 : memref<64x128xf32, #tpu.memory_space<vmem>>) offsets(%arg7 : memref<64xi32, #tpu.memory_space<vmem>>) semaphore(%arg11 : memref<!tpu.dma_semaphore, #tpu.memory_space<semaphore_mem>>)
    %dma_wait3A_106 = arith.constant 0 : i32
    %dma_wait3A_107 = arith.constant 0 : i32
    %dma_wait3A_108 = tpu.memref_slice %arg2[%dma_wait3A_106, %dma_wait3A_107] : memref<819200x128xf32, #tpu.memory_space<hbm>> -> memref<819200x128xf32, #tpu.memory_space<hbm>>
    tpu.wait_indirect_dma semaphore(%arg10 : memref<!tpu.dma_semaphore, #tpu.memory_space<semaphore_mem>>) src(%dma_wait3A_108 : memref<819200x128xf32, #tpu.memory_space<hbm>>) dst(%arg8 : memref<64x128xf32, #tpu.memory_space<vmem>>)
    %dma_start3A_109 = arith.constant 0 : i32
    %dma_start3A_110 = tpu.memref_slice %arg5[%mul3A_2, %dma_start3A_109] : memref<2048x256xf32, #tpu.memory_space<hbm>> -> memref<64x128xf32, #tpu.memory_space<hbm>>
    %dma_start3A_111 = arith.constant 0 : i32
    %dma_start3A_112 = tpu.memref_slice %arg5[%mul3A_2, %dma_start3A_111] : memref<2048x256xf32, #tpu.memory_space<hbm>> -> memref<64x128xf32, #tpu.memory_space<hbm>>
    tpu.enqueue_dma source(%arg8 : memref<64x128xf32, #tpu.memory_space<vmem>>) target(%dma_start3A_112 : memref<64x128xf32, #tpu.memory_space<hbm>>) target_semaphore(%arg12 : memref<!tpu.dma_semaphore, #tpu.memory_space<semaphore_mem>>)
    %dma_wait3A_113 = arith.constant 0 : i32
    %dma_wait3A_114 = arith.constant 0 : i32
    %dma_wait3A_115 = tpu.memref_slice %arg2[%dma_wait3A_113, %dma_wait3A_114] : memref<819200x128xf32, #tpu.memory_space<hbm>> -> memref<819200x128xf32, #tpu.memory_space<hbm>>
    tpu.wait_indirect_dma semaphore(%arg11 : memref<!tpu.dma_semaphore, #tpu.memory_space<semaphore_mem>>) src(%dma_wait3A_115 : memref<819200x128xf32, #tpu.memory_space<hbm>>) dst(%arg9 : memref<64x128xf32, #tpu.memory_space<vmem>>)
    %dma_start3A_116 = arith.constant 128 : i32
    %dma_start3A_117 = tpu.memref_slice %arg5[%mul3A_2, %dma_start3A_116] : memref<2048x256xf32, #tpu.memory_space<hbm>> -> memref<64x128xf32, #tpu.memory_space<hbm>>
    %dma_start3A_118 = arith.constant 128 : i32
    %dma_start3A_119 = tpu.memref_slice %arg5[%mul3A_2, %dma_start3A_118] : memref<2048x256xf32, #tpu.memory_space<hbm>> -> memref<64x128xf32, #tpu.memory_space<hbm>>
    tpu.enqueue_dma source(%arg9 : memref<64x128xf32, #tpu.memory_space<vmem>>) target(%dma_start3A_119 : memref<64x128xf32, #tpu.memory_space<hbm>>) target_semaphore(%arg13 : memref<!tpu.dma_semaphore, #tpu.memory_space<semaphore_mem>>)
    %dma_wait3A_120 = arith.constant 0 : i32
    %dma_wait3A_121 = tpu.memref_slice %arg5[%mul3A_2, %dma_wait3A_120] : memref<2048x256xf32, #tpu.memory_space<hbm>> -> memref<64x128xf32, #tpu.memory_space<hbm>>
    %dma_wait3A_122 = arith.constant 0 : i32
    %dma_wait3A_123 = tpu.memref_slice %arg5[%mul3A_2, %dma_wait3A_122] : memref<2048x256xf32, #tpu.memory_space<hbm>> -> memref<64x128xf32, #tpu.memory_space<hbm>>
    tpu.wait_dma2 semaphore(%arg12 : memref<!tpu.dma_semaphore, #tpu.memory_space<semaphore_mem>>) src(%arg8 : memref<64x128xf32, #tpu.memory_space<vmem>>) dst(%dma_wait3A_123 : memref<64x128xf32, #tpu.memory_space<hbm>>)
    %dma_wait3A_124 = arith.constant 128 : i32
    %dma_wait3A_125 = tpu.memref_slice %arg5[%mul3A_2, %dma_wait3A_124] : memref<2048x256xf32, #tpu.memory_space<hbm>> -> memref<64x128xf32, #tpu.memory_space<hbm>>
    %dma_wait3A_126 = arith.constant 128 : i32
    %dma_wait3A_127 = tpu.memref_slice %arg5[%mul3A_2, %dma_wait3A_126] : memref<2048x256xf32, #tpu.memory_space<hbm>> -> memref<64x128xf32, #tpu.memory_space<hbm>>
    tpu.wait_dma2 semaphore(%arg13 : memref<!tpu.dma_semaphore, #tpu.memory_space<semaphore_mem>>) src(%arg9 : memref<64x128xf32, #tpu.memory_space<vmem>>) dst(%dma_wait3A_127 : memref<64x128xf32, #tpu.memory_space<hbm>>)
    return
  }
}

module attributes {stable_mosaic.version = 14 : i64} {
  func.func @_tc_linear_first_body(%arg0: i32, %arg1: memref<2048x256xf32, #tpu.memory_space<vmem>>, %arg2: memref<2048x1xf32, #tpu.memory_space<vmem>>, %arg3: memref<2048x1xf32, #tpu.memory_space<vmem>>, %arg4: memref<1x128xf32, #tpu.memory_space<vmem>>, %arg5: memref<384x128xf32, #tpu.memory_space<vmem>>, %arg6: memref<2048x128xf32, #tpu.memory_space<vmem>>) attributes {dimension_semantics = [#tpu.dimension_semantics<arbitrary>], iteration_bounds = array<i64: 1>, scalar_prefetch = 0 : i64, scratch_operands = 0 : i64, tpu.core_type = #tpu.core_type<tc>, window_params = [{pipeline_mode = #tpu.pipeline_mode<synchronous>, transform_indices = @transform_0, window_bounds = array<i64: 2048, 256>}, {transform_indices = @transform_1, window_bounds = array<i64: 2048, 1>}, {transform_indices = @transform_2, window_bounds = array<i64: 2048, 1>}, {pipeline_mode = #tpu.pipeline_mode<synchronous>, transform_indices = @transform_3, window_bounds = array<i64: 1, 128>}, {pipeline_mode = #tpu.pipeline_mode<synchronous>, transform_indices = @transform_4, window_bounds = array<i64: 384, 128>}, {transform_indices = @transform_5, window_bounds = array<i64: 2048, 128>}]} {
    %get3A = arith.constant 0 : index
    %get3A_0 = arith.constant 0 : index
    %get3A_1 = vector.load %arg4[%get3A, %get3A_0] : memref<1x128xf32, #tpu.memory_space<vmem>>, vector<1x128xf32>
    %get3A_2 = arith.constant 256 : index
    %get3A_3 = arith.constant 0 : index
    %get3A_4 = vector.load %arg5[%get3A_2, %get3A_3] : memref<384x128xf32, #tpu.memory_space<vmem>>, vector<128x128xf32>
    %dot_general3A = arith.constant dense<0.000000e+00> : vector<1x128xf32>
    %dot_general3A_5 = tpu.matmul %get3A_1, %get3A_4, %dot_general3A {dimension_numbers = #tpu.dot_dimension_numbers<[1], [0], [0], [1], [0, 0, 1, 1], [], []>, transpose_lhs_hint = false} : vector<1x128xf32>, vector<128x128xf32>, vector<1x128xf32> -> vector<1x128xf32>
    %get3A_6 = arith.constant 0 : index
    %get3A_7 = arith.constant 0 : index
    %get3A_8 = vector.load %arg2[%get3A_6, %get3A_7] : memref<2048x1xf32, #tpu.memory_space<vmem>>, vector<2048x1xf32>
    %get3A_9 = arith.constant 0 : index
    %get3A_10 = arith.constant 0 : index
    %get3A_11 = vector.load %arg3[%get3A_9, %get3A_10] : memref<2048x1xf32, #tpu.memory_space<vmem>>, vector<2048x1xf32>
    %div3A = arith.divf %get3A_8, %get3A_11 : vector<2048x1xf32>
    %get3A_12 = arith.constant 0 : index
    %get3A_13 = arith.constant 0 : index
    %get3A_14 = vector.load %arg1[%get3A_12, %get3A_13] : memref<2048x256xf32, #tpu.memory_space<vmem>>, vector<2048x256xf32>
    %get3A_15 = arith.constant 0 : index
    %get3A_16 = arith.constant 0 : index
    %get3A_17 = vector.load %arg5[%get3A_15, %get3A_16] : memref<384x128xf32, #tpu.memory_space<vmem>>, vector<256x128xf32>
    %dot_general3A_18 = arith.constant dense<0.000000e+00> : vector<2048x128xf32>
    %dot_general3A_19 = tpu.matmul %get3A_14, %get3A_17, %dot_general3A_18 {dimension_numbers = #tpu.dot_dimension_numbers<[1], [0], [0], [1], [0, 0, 1, 1], [], []>, transpose_lhs_hint = false} : vector<2048x256xf32>, vector<256x128xf32>, vector<2048x128xf32> -> vector<2048x128xf32>
    %mul3A = vector.broadcast %div3A : vector<2048x1xf32> to vector<2048x128xf32>
    %mul3A_20 = vector.broadcast %dot_general3A_5 : vector<1x128xf32> to vector<2048x128xf32>
    %mul3A_21 = arith.mulf %mul3A, %mul3A_20 : vector<2048x128xf32>
    %add3A = arith.addf %dot_general3A_19, %mul3A_21 : vector<2048x128xf32>
    %swap3A = arith.constant 0 : index
    %swap3A_22 = arith.constant 0 : index
    %swap3A_23 = vector.load %arg6[%swap3A, %swap3A_22] : memref<2048x128xf32, #tpu.memory_space<vmem>>, vector<2048x128xf32>
    tpu.vector_store %arg6[%swap3A, %swap3A_22], %add3A {strides = array<i32>} : memref<2048x128xf32, #tpu.memory_space<vmem>>, vector<2048x128xf32>,
    return
  }
  func.func @transform_0(%arg0: i32) -> (i32, i32) {
    %c0_i32 = arith.constant 0 : i32
    %c0_i32_0 = arith.constant 0 : i32
    %c0_i32_1 = arith.constant 0 : i32
    return %c0_i32, %c0_i32_0 : i32, i32
  }
  func.func @transform_1(%arg0: i32) -> (i32, i32) {
    %c0_i32 = arith.constant 0 : i32
    %c0_i32_0 = arith.constant 0 : i32
    %c0_i32_1 = arith.constant 0 : i32
    return %c0_i32, %c0_i32_0 : i32, i32
  }
  func.func @transform_2(%arg0: i32) -> (i32, i32) {
    %c0_i32 = arith.constant 0 : i32
    %c0_i32_0 = arith.constant 0 : i32
    %c0_i32_1 = arith.constant 0 : i32
    return %c0_i32, %c0_i32_0 : i32, i32
  }
  func.func @transform_3(%arg0: i32) -> (i32, i32) {
    %c0_i32 = arith.constant 0 : i32
    %c0_i32_0 = arith.constant 0 : i32
    %c0_i32_1 = arith.constant 0 : i32
    return %c0_i32, %c0_i32_0 : i32, i32
  }
  func.func @transform_4(%arg0: i32) -> (i32, i32) {
    %c0_i32 = arith.constant 0 : i32
    %c0_i32_0 = arith.constant 0 : i32
    %c0_i32_1 = arith.constant 0 : i32
    return %c0_i32, %c0_i32_0 : i32, i32
  }
  func.func @transform_5(%arg0: i32) -> (i32, i32) {
    %c0_i32 = arith.constant 0 : i32
    %c0_i32_0 = arith.constant 0 : i32
    %c0_i32_1 = arith.constant 0 : i32
    return %c0_i32, %c0_i32_0 : i32, i32
  }
}

module attributes {stable_mosaic.version = 14 : i64} {
  func.func @_tc_linear_second_body(%arg0: i32, %arg1: memref<8x128xf32, #tpu.memory_space<vmem>>, %arg2: memref<2048x256xf32, #tpu.memory_space<vmem>>, %arg3: memref<2048x1xf32, #tpu.memory_space<vmem>>, %arg4: memref<2048x1xf32, #tpu.memory_space<vmem>>, %arg5: memref<1x128xf32, #tpu.memory_space<vmem>>, %arg6: memref<384x128xf32, #tpu.memory_space<vmem>>, %arg7: memref<2048x128xf32, #tpu.memory_space<vmem>>) attributes {dimension_semantics = [#tpu.dimension_semantics<arbitrary>], iteration_bounds = array<i64: 1>, scalar_prefetch = 0 : i64, scratch_operands = 0 : i64, tpu.core_type = #tpu.core_type<tc>, window_params = [{transform_indices = @transform_0, window_bounds = array<i64: 8, 128>}, {pipeline_mode = #tpu.pipeline_mode<synchronous>, transform_indices = @transform_1, window_bounds = array<i64: 2048, 256>}, {transform_indices = @transform_2, window_bounds = array<i64: 2048, 1>}, {transform_indices = @transform_3, window_bounds = array<i64: 2048, 1>}, {pipeline_mode = #tpu.pipeline_mode<synchronous>, transform_indices = @transform_4, window_bounds = array<i64: 1, 128>}, {pipeline_mode = #tpu.pipeline_mode<synchronous>, transform_indices = @transform_5, window_bounds = array<i64: 384, 128>}, {transform_indices = @transform_6, window_bounds = array<i64: 2048, 128>}]} {
    %get3A = arith.constant 0 : index
    %get3A_0 = arith.constant 0 : index
    %get3A_1 = vector.load %arg5[%get3A, %get3A_0] : memref<1x128xf32, #tpu.memory_space<vmem>>, vector<1x128xf32>
    %get3A_2 = arith.constant 256 : index
    %get3A_3 = arith.constant 0 : index
    %get3A_4 = vector.load %arg6[%get3A_2, %get3A_3] : memref<384x128xf32, #tpu.memory_space<vmem>>, vector<128x128xf32>
    %dot_general3A = arith.constant dense<0.000000e+00> : vector<1x128xf32>
    %dot_general3A_5 = tpu.matmul %get3A_1, %get3A_4, %dot_general3A {dimension_numbers = #tpu.dot_dimension_numbers<[1], [0], [0], [1], [0, 0, 1, 1], [], []>, transpose_lhs_hint = false} : vector<1x128xf32>, vector<128x128xf32>, vector<1x128xf32> -> vector<1x128xf32>
    %get3A_6 = arith.constant 0 : index
    %get3A_7 = arith.constant 0 : index
    %get3A_8 = vector.load %arg3[%get3A_6, %get3A_7] : memref<2048x1xf32, #tpu.memory_space<vmem>>, vector<2048x1xf32>
    %get3A_9 = arith.constant 0 : index
    %get3A_10 = arith.constant 0 : index
    %get3A_11 = vector.load %arg4[%get3A_9, %get3A_10] : memref<2048x1xf32, #tpu.memory_space<vmem>>, vector<2048x1xf32>
    %div3A = arith.divf %get3A_8, %get3A_11 : vector<2048x1xf32>
    %get3A_12 = arith.constant 0 : index
    %get3A_13 = arith.constant 0 : index
    %get3A_14 = vector.load %arg2[%get3A_12, %get3A_13] : memref<2048x256xf32, #tpu.memory_space<vmem>>, vector<2048x256xf32>
    %get3A_15 = arith.constant 0 : index
    %get3A_16 = arith.constant 0 : index
    %get3A_17 = vector.load %arg6[%get3A_15, %get3A_16] : memref<384x128xf32, #tpu.memory_space<vmem>>, vector<256x128xf32>
    %dot_general3A_18 = arith.constant dense<0.000000e+00> : vector<2048x128xf32>
    %dot_general3A_19 = tpu.matmul %get3A_14, %get3A_17, %dot_general3A_18 {dimension_numbers = #tpu.dot_dimension_numbers<[1], [0], [0], [1], [0, 0, 1, 1], [], []>, transpose_lhs_hint = false} : vector<2048x256xf32>, vector<256x128xf32>, vector<2048x128xf32> -> vector<2048x128xf32>
    %mul3A = vector.broadcast %div3A : vector<2048x1xf32> to vector<2048x128xf32>
    %mul3A_20 = vector.broadcast %dot_general3A_5 : vector<1x128xf32> to vector<2048x128xf32>
    %mul3A_21 = arith.mulf %mul3A, %mul3A_20 : vector<2048x128xf32>
    %add3A = arith.addf %dot_general3A_19, %mul3A_21 : vector<2048x128xf32>
    %swap3A = arith.constant 0 : index
    %swap3A_22 = arith.constant 0 : index
    %swap3A_23 = vector.load %arg7[%swap3A, %swap3A_22] : memref<2048x128xf32, #tpu.memory_space<vmem>>, vector<2048x128xf32>
    tpu.vector_store %arg7[%swap3A, %swap3A_22], %add3A {strides = array<i32>} : memref<2048x128xf32, #tpu.memory_space<vmem>>, vector<2048x128xf32>,
    return
  }
  func.func @transform_0(%arg0: i32) -> (i32, i32) {
    %c0_i32 = arith.constant 0 : i32
    %c0_i32_0 = arith.constant 0 : i32
    %c0_i32_1 = arith.constant 0 : i32
    return %c0_i32, %c0_i32_0 : i32, i32
  }
  func.func @transform_1(%arg0: i32) -> (i32, i32) {
    %c0_i32 = arith.constant 0 : i32
    %c0_i32_0 = arith.constant 0 : i32
    %c0_i32_1 = arith.constant 0 : i32
    return %c0_i32, %c0_i32_0 : i32, i32
  }
  func.func @transform_2(%arg0: i32) -> (i32, i32) {
    %c1_i32 = arith.constant 1 : i32
    %c0_i32 = arith.constant 0 : i32
    %c0_i32_0 = arith.constant 0 : i32
    return %c1_i32, %c0_i32 : i32, i32
  }
  func.func @transform_3(%arg0: i32) -> (i32, i32) {
    %c1_i32 = arith.constant 1 : i32
    %c0_i32 = arith.constant 0 : i32
    %c0_i32_0 = arith.constant 0 : i32
    return %c1_i32, %c0_i32 : i32, i32
  }
  func.func @transform_4(%arg0: i32) -> (i32, i32) {
    %c0_i32 = arith.constant 0 : i32
    %c0_i32_0 = arith.constant 0 : i32
    %c0_i32_1 = arith.constant 0 : i32
    return %c0_i32, %c0_i32_0 : i32, i32
  }
  func.func @transform_5(%arg0: i32) -> (i32, i32) {
    %c0_i32 = arith.constant 0 : i32
    %c0_i32_0 = arith.constant 0 : i32
    %c0_i32_1 = arith.constant 0 : i32
    return %c0_i32, %c0_i32_0 : i32, i32
  }
  func.func @transform_6(%arg0: i32) -> (i32, i32) {
    %c1_i32 = arith.constant 1 : i32
    %c0_i32 = arith.constant 0 : i32
    %c0_i32_0 = arith.constant 0 : i32
    return %c1_i32, %c0_i32 : i32, i32
  }
}

</mosaic_0001>

<sc_bundles>
// kernel: kernel.6.cloned.1.call-start
scs
__scs_entry_jumppad:
0x0: {  	(pc) =	sbr.rel $0x88, $3  }
0x1: {  	(tag) =	ssettag $0x0;
	lr =	simm.s32 $0x1  }
0x2: {  	[smem:$0x3F9A] =	sst lr;
	_ =	strace $0xD0000000  }
0x3: {  	_ = 	snop  }
0x4: {  	_ = 	snop  }
0x5: {  	_ = 	snop  }
0x6: {  	_ = 	snop  }
0x7: {  	_ = 	snop  }
__scs_overlays_trampoline_lowered:
0x8: {  	[smem:$0x3FA9] =	sst s0  }
0x9: {  	[smem:$0x3FAA] =	sst s1  }
0xa: {  	[smem:$0x3FAB] =	sst s2  }
0xb: {  	[smem:$0x3FAC] =	sst s3  }
0xc: {  	[smem:$0x3FAD] =	sst s4  }
0xd: {  	[smem:$0x3FAE] =	sst s5  }
0xe: {  	[smem:$0x3FAF] =	sst s6  }
0xf: {  	[smem:$0x3FB0] =	sst s7  }
0x10: {  	[smem:$0x3FB1] =	sst s8  }
0x11: {  	[smem:$0x3FB2] =	sst s9;
	s0 =	simm.s32 @!p0 $0x0  }
0x12: {  	s1 =	sld [smem:$0x3F98];
	s0 =	simm.s32 @p0 $0x1  }
0x13: {  	[smem:$0x3FB3] =	sst s0;
	s0 =	simm.s32 @!p1 $0x0  }
0x14: {  	s2 =	sld [smem:$0x3F97];
	s0 =	simm.s32 @p1 $0x1  }
0x15: {  	[smem:$0x3FB4] =	sst s0;
	s0 =	simm.s32 @!p2 $0x0  }
0x16: {  	s3 =	sld [smem:$0x3FDB];
	s0 =	simm.s32 @p2 $0x1  }
0x17: {  	s4 =	simm.s32 $0x1BF5;
	[smem:$0x3FB6] =	sst s0  }
0x18: {  	s0 =	sld [smem:$0x3F99];
	_ =	swait.ge [sflag:s4], $0x0  }
0x19: {  	s7 =	sld [smem:$0x3F9A]  }
0x1a: {  	s8 =	sadd.s32 $0xFFFFE003, lr  }
0x1b: {  	s9 =	sadd.s32 $0xFFFFFEF7, lr;
	s5 =	simm.s32 $0xFFFFFFFF;
	p2 =	slt.u32 s8, $0xFFFFF086  }
0x1c: {  	p1 =	slt.u32 s9, $0xF7A;
	s5 =	simm.s32 @!p2 $0x0  }
0x1d: {  	s5 =	simm.s32 @p1 $0x1;
	p0 =	seq.s32 s7, s2  }
0x1e: {  	s7 =	smul.u32 @!p0 $0xF7A, s2;
	p2 =	seq.s32 @!p0 s5, $0x0  }
0x1f: {  	s9 =	smul.u32 $0xF7A, s1;
	s8 =	simm.s32 @!p0 $0x1BF5;
	p2 =	por !p2, p0  }
0x20: {  	[sflag:s8] =	ssyncset.s32 @!p0 $0xFFFFF086;
	s6 =	sadd.s32 @!p0 s3, s7;
	s7 =	simm.s32 @!p0 $0x108  }
0x21: {  	s3 =	sadd.s32 s3, s9;
	s6 =	sadd.s32 @!p0 $0x88, s6;
	s7 =	simm.s32 @p2 $0x1082  }
0x22: {  	[simem:s7], [sflag:s8] =	dma.local @!p0 [hbm:s6], $0xF7A  }
0x23: {  	s9 =	sor.u32 $0xD0000000, s2;
	s6 =	simm.s32 $0x108;
	_ =	swait.ge @!p0 [sflag:s8], $0x0  }
0x24: {  	s3 =	sadd.s32 $0x88, s3;
	s6 =	simm.s32 @!p1 $0x1082;
	[sflag:s4] =	ssyncset.s32 $0xFFFFF086  }
0x25: {  	[simem:s6], [sflag:s4] =	dma.local [hbm:s3], $0xF7A  }
0x26: {  	[smem:$0x3F9A] =	sst s1;
	(tag) =	ssettag s2;
	_ =	strace s9  }
0x27: {  	s1 =	sld [smem:$0x3FAA]  }
0x28: {  	s2 =	sld [smem:$0x3FAB]  }
0x29: {  	s4 =	sld [smem:$0x3FAD]  }
0x2a: {  	p0 =	seq.s32 s5, $0x0;
	s5 =	sld [smem:$0x3FAE]  }
0x2b: {  	s6 =	sld [smem:$0x3FAF]  }
0x2c: {  	s7 =	sld [smem:$0x3FB0]  }
0x2d: {  	s3 =	simm.s32 $0x108;
	s8 =	sld [smem:$0x3FB1]  }
0x2e: {  	s3 =	simm.s32 @!p0 $0x1082;
	s9 =	sld [smem:$0x3FB2]  }
0x2f: {  	lr =	sadd.s32 s0, s3;
	s0 =	sld [smem:$0x3FA9]  }
0x30: {  	s3 =	sld [smem:$0x3FAC]  }
0x31: {  	[smem:$0x3FB5] =	sst s10  }
0x32: {  	s10 =	sld [smem:$0x3FB3];
	_ =	sdelay $0x3  }
0x33: {  	p0 =	seq.s32 s10, $0x1;
	s10 =	sld [smem:$0x3FB5];
	_ =	sdelay $0x3  }
0x34: {  	[smem:$0x3FB5] =	sst s10  }
0x35: {  	s10 =	sld [smem:$0x3FB4];
	_ =	sdelay $0x3  }
0x36: {  	p1 =	seq.s32 s10, $0x1;
	s10 =	sld [smem:$0x3FB5];
	_ =	sdelay $0x3  }
0x37: {  	[smem:$0x3FB5] =	sst s10  }
0x38: {  	s10 =	sld [smem:$0x3FB6]  }
0x39: {  	_ = 	snop;
	(pc) =	sbr.ind lr, $3  }
0x3a: {  	_ = 	snop  }
0x3b: {  	_ = 	snop  }
0x3c: {  	p2 =	seq.s32 s10, $0x1;
	s10 =	sld [smem:$0x3FB5]  }
0x3d: {  	_ =	shalt  }
0x3e: {  	_ =	shalt  }
0x3f: {  	_ =	shalt  }
0x40: {  	_ =	shalt  }
0x41: {  	_ =	shalt  }
0x42: {  	_ =	shalt  }
0x43: {  	_ =	shalt  }
0x44: {  	_ =	shalt  }
0x45: {  	_ =	shalt  }
0x46: {  	_ =	shalt  }
0x47: {  	_ =	shalt  }
0x48: {  	_ =	shalt  }
0x49: {  	_ =	shalt  }
0x4a: {  	_ =	shalt  }
0x4b: {  	_ =	shalt  }
0x4c: {  	_ =	shalt  }
0x4d: {  	_ =	shalt  }
0x4e: {  	_ =	shalt  }
0x4f: {  	_ =	shalt  }
0x50: {  	_ =	shalt  }
0x51: {  	_ =	shalt  }
0x52: {  	_ =	shalt  }
0x53: {  	_ =	shalt  }
0x54: {  	_ =	shalt  }
0x55: {  	_ =	shalt  }
0x56: {  	_ =	shalt  }
0x57: {  	_ =	shalt  }
0x58: {  	_ =	shalt  }
0x59: {  	_ =	shalt  }
0x5a: {  	_ =	shalt  }
0x5b: {  	_ =	shalt  }
0x5c: {  	_ =	shalt  }
0x5d: {  	_ =	shalt  }
0x5e: {  	_ =	shalt  }
0x5f: {  	_ =	shalt  }
0x60: {  	_ =	shalt  }
0x61: {  	_ =	shalt  }
0x62: {  	_ =	shalt  }
0x63: {  	_ =	shalt  }
0x64: {  	_ =	shalt  }
0x65: {  	_ =	shalt  }
0x66: {  	_ =	shalt  }
0x67: {  	_ =	shalt  }
0x68: {  	_ =	shalt  }
0x69: {  	_ =	shalt  }
0x6a: {  	_ =	shalt  }
0x6b: {  	_ =	shalt  }
0x6c: {  	_ =	shalt  }
0x6d: {  	_ =	shalt  }
0x6e: {  	_ =	shalt  }
0x6f: {  	_ =	shalt  }
0x70: {  	_ =	shalt  }
0x71: {  	_ =	shalt  }
0x72: {  	_ =	shalt  }
0x73: {  	_ =	shalt  }
0x74: {  	_ =	shalt  }
0x75: {  	_ =	shalt  }
0x76: {  	_ =	shalt  }
0x77: {  	_ =	shalt  }
0x78: {  	_ =	shalt  }
0x79: {  	_ =	shalt  }
0x7a: {  	_ =	shalt  }
0x7b: {  	_ =	shalt  }
0x7c: {  	_ =	shalt  }
0x7d: {  	_ =	shalt  }
0x7e: {  	_ =	shalt  }
0x7f: {  	_ =	shalt  }
0x80: {  	_ =	shalt  }
0x81: {  	_ =	shalt  }
0x82: {  	_ =	shalt  }
0x83: {  	_ =	shalt  }
0x84: {  	_ =	shalt  }
0x85: {  	_ =	shalt  }
0x86: {  	_ =	shalt  }
0x87: {  	_ =	shalt  }
.Lfunc_end0:
.L_simem_size_0:
called_computation_lowered:
.L_overlay_start_0:
0x88: {  	s2 =	sld [smem:$0x3FD9]  }
0x89: {  	s3 =	sld [smem:$0x3FFE];
	_ =	sdelay $0x1  }
0x8a: {  	s1 =	srdreg.scid  }
0x8b: {  	s0 =	sand.u32 $0x1, s1  }
0x8c: {  	s18 =	sshll.u32 s0, $0xA;
	s2 =	sadd.s32 s3, s2  }
0x8d: {  	s2 =	sadd.s32 s2, s18  }
0x8e: {  	[smem:$0x3FC1] =	sst s2  }
0x8f: {  	_ = 	snop  }
0x90: {  	s2 =	sld [smem:$0x3FC9]  }
0x91: {  	s19 =	sld [smem:$0x3FC4]  }
0x92: {  	s4 =	sld [smem:$0x3FC3]  }
0x93: {  	s5 =	sld [smem:$0x3FD0];
	(tm) =	ssettm $0x1  }
0x94: {  	s6 =	sld [smem:$0x3FFB];
	_ =	sdelay $0x3  }
0x95: {  	_ =	strace s6  }
0x96: {  	s6 =	sld [smem:$0x3FFC];
	_ =	sdelay $0x3  }
0x97: {  	_ =	strace s6  }
0x98: {  	s6 =	sld [smem:$0x3FFD];
	_ =	sdelay $0x3  }
0x99: {  	_ =	strace s6  }
0x9a: {  	_ =	strace $0x8FFFFFFF  }
0x9b: {  	s20 =	sld [smem:$0x3FDB];
	_ =	sdelay $0x1  }
0x9c: {  	s7 =	simm.s32 $_scs_section_size  }
0x9d: {  	s8 =	simm.s32 $_size__tile_overlayer_lowered;
	s9 =	simm.s32 $_tile_overlayer_lowered  }
0x9e: {  	s23 =	simm.s32 $0x1BFF;
	s22 =	sshll.u32 s9, $0x1;
	s6 =	sadd.s32 s7, s20  }
0x9f: {  	s10 =	simm.s32 $0x0;
	s21 =	sshll.u32 s8, $0x1;
	s8 =	sadd.s32 s22, s6  }
0xa0: {  	[timem:s10], [sflag:s23] =	dma.local [hbm:s8], s21  }
0xa1: {  	_ =	swait.ge [sflag:s23], s21  }
0xa2: {  	s7 =	ssub.s32 $0x0, s21;
	[sflag:s23] =	ssyncset.done $0x0  }
0xa3: {  	[sflag:s23] =	ssyncadd.s32 s7;
	_ =	sdelay $0x1  }
0xa4: {  	s24 =	simm.s32 $0x1B8B  }
0xa5: {  	_ =	swait.ge [sflag:s24], $0x1  }
0xa6: {  	[sflag:s24] =	ssyncset.done $0x0  }
0xa7: {  	s25 =	simm.s32 $0x1B8E;
	[sflag:s24] =	ssyncadd.s32 $0xFFFFFFFF  }
0xa8: {  	s26 =	simm.s32 $execute0_lowered;
	[smem:$0x3FD2] =	sst s25  }
0xa9: {  	s7 =	sshll.u32 s26, $0x1;
	_ =	strace $0x80000046;
	[dreg:$0x1] =	wrdreg $0xFFFFFFFF  }
0xaa: {  	s28 =	simm.s32 $_size_execute0_lowered;
	s6 =	sadd.s32 s6, s7;
	[dreg:$0x0] =	wrdreg $0x0  }
0xab: {  	s7 =	sshll.u32 s28, $0x1;
	[dreg:$0x2] =	wrdreg s6  }
0xac: {  	[dreg:$0x3] =	wrdreg s7  }
0xad: {  	[dreg:$0x4] =	wrdreg $0xC0  }
0xae: {  	_ =	task [dreg:s10], $0x5FFFF  }
0xaf: {  	[dreg:$0x1] =	wrdreg $0xFFFFFFFF  }
0xb0: {  	[dreg:$0x0] =	wrdreg $0x60  }
0xb1: {  	[dreg:$0x2] =	wrdreg s2  }
0xb2: {  	[dreg:$0x3] =	wrdreg s19  }
0xb3: {  	[dreg:$0x4] =	wrdreg s4  }
0xb4: {  	[dreg:$0x5] =	wrdreg s5  }
0xb5: {  	[dreg:$0x6] =	wrdreg $0x9  }
0xb6: {  	_ =	task.clear_ibuf [dreg:s10], $0x7FFFF;
	_ =	strace $0x90000046  }
0xb7: {  	s29 =	simm.s32 $0x9;
	_ =	strace $0x80000048  }
0xb8: {  	_ =	swait.ge [sflag:s29], $0x1  }
0xb9: {  	[sflag:s29] =	ssyncadd.s32 $0xFFFFFFFF  }
0xba: {  	_ =	strace $0x90000048  }
0xbb: {  	_ =	sfence  }
0xbc: {  	s30 =	sld [smem:$0x0];
	_ =	sdelay $0x2  }
0xbd: {  	s31 =	sshll.u32 s1, $0xD;
	s1 =	sshrl.u32 s1, $0x2  }
0xbe: {  	s3 =	sand.u32 $0x4000, s31;
	s1 =	sadd.s32 s1, s30  }
0xbf: {  	s0 =	sor.u32 s3, s0;
	s1 =	sshll.u32 s1, $0x11  }
0xc0: {  	s0 =	sor.u32 s1, s0  }
0xc1: {  	s0 =	sadd.s32 $0x8F2B, s0  }
0xc2: {  	[sflag:s0] =	ssyncadd.remote.s32 $0x1  }
0xc3: {  	_ =	sfence.sel $0xFFFF  }
0xc4: {  	[dreg:$0x0] =	wrdreg $0xFFFFFFFF;
	(pc) =	sbr.abs _section_cstart, $3  }
0xc5: {  	[dreg:$0x1] =	wrdreg $0xFFFFFFFF  }
0xc6: {  	_ =	task.clear_ibuf [dreg:s10], $0x2FFFF;
	_ =	strace $0x9FFFFFFF  }
0xc7: {  	(tm) =	ssettm $0x7FFFFFFF  }
tec
execute0_lowered:
.L_overlay_start_1:
0x0: {  	(tag) =	ssettag $0x1  }
0x1: {  	s2 =	rddreg [dreg:$0x0]  }
0x2: {  	s4 =	rddreg [dreg:$0x1]  }
0x3: {  	s1 =	srdreg.scid;
	s0 =	stileid.u32  }
0x4: {  	s5 =	rddreg [dreg:$0x2];
	s9 =	sand.u32 $0x1, s1;
	s6 =	sshll.u32 s0, $0x1  }
0x5: {  	s12 =	rddreg [dreg:$0x3];
	s3 =	simm.s32 $0x0;
	s11 =	sor.u32 s9, s6  }
0x6: {  	[smem:$0x7FF] =	sst s3;
	s6 =	sshll.u32 s11, $0x3  }
0x7: {  	s1 =	rddreg [dreg:$0x4];
	_ =	strace $0x80000047;
	s4 =	sadd.s32 s4, s6  }
0x8: {  	[tilespmem:s3], [sflag:$0x1] =	stream.linear.gather [hbm4b:s4+s3], $0x40, $0x38;
	[tilespmem:$0x4100] =	vst v63  }
0x9: {  	s7 =	simm.s32 $0x1;
	s5 =	sadd.s32 s5, s6;
	s6 =	simm.s32 $0x80  }
0xa: {  	[tilespmem:s6], [sflag:$0x2] =	stream.linear.gather [hbm4b:s5+s3], $0x40, $0x38;
	[tilespmem:$0x4100] =	vst v63  }
0xb: {  	_ =	swait.ge [sflag:s7], $0x40  }
0xc: {  	[sflag:s7] =	ssyncset.done $0x0  }
0xd: {  	s8 =	simm.s32 $0x2;
	[sflag:s7] =	ssyncadd.s32 $0xFFFFFFC0  }
0xe: {  	_ =	swait.ge [sflag:s8], $0x40  }
0xf: {  	[sflag:s8] =	ssyncset.done $0x0  }
0x10: {  	[sflag:s8] =	ssyncadd.s32 $0xFFFFFFC0  }
0x11: {  	v1 =	vld [tilespmem:$0xB0]  }
0x12: {  	v0 =	vlaneseq.u32;
	s10 =	smul.u32 $0x3200, s11;
	v2 =	vld [tilespmem:$0x30]  }
0x13: {  	v3 =	vmul.u32 $0xC8, v0;
	v4 =	vld [tilespmem:$0xA0]  }
0x14: {  	s13 =	sadd.s32 $0x2580, s10;
	v5 =	vld [tilespmem:$0x20]  }
0x15: {  	v0 =	vadd.s32 s13, v3;
	v6 =	vld [tilespmem:$0x90]  }
0x16: {  	s29 =	sadd.s32 $0x1900, s10;
	v7 =	vld [tilespmem:$0x10];
	v8 =	vadd.s32 v0, v1  }
0x17: {  	v9 =	vld [tilespmem:$0x80];
	v1 =	vadd.s32 s29, v3;
	v2 =	vadd.s32 v0, v2;
	[tilespmem:$0xB0] =	vst v8  }
0x18: {  	s30 =	sadd.s32 $0xC80, s10;
	v63 =	vld [tilespmem:$0x0];
	v4 =	vadd.s32 v1, v4;
	[tilespmem:$0x30] =	vst v2  }
0x19: {  	v2 =	vadd.s32 s30, v3;
	v5 =	vadd.s32 v1, v5;
	[tilespmem:$0xA0] =	vst v4  }
0x1a: {  	v4 =	vadd.s32 v2, v6;
	[tilespmem:$0x20] =	vst v5  }
0x1b: {  	v3 =	vadd.s32 s10, v3;
	v5 =	vadd.s32 v2, v7;
	[tilespmem:$0x90] =	vst v4  }
0x1c: {  	s31 =	ssub.s32 $0x2, s9;
	v4 =	vadd.s32 v3, v9;
	[tilespmem:$0x10] =	vst v5  }
0x1d: {  	s14 =	sshrl.u32 s31, $0x1;
	v5 =	vadd.s32 v3, v63;
	[tilespmem:$0x80] =	vst v4  }
0x1e: {  	s9 =	simm.s32 $0x40;
	s14 =	ssub.s32 s31, s14;
	s10 =	simm.s32 $0x100;
	[tilespmem:$0x0] =	vst v5  }
0x1f: {  	[tilespmem:s10], [sflag:$0x1] =	stream.indirect.gather [hbm4b:s2+s9], $0x80, s3, s9, $0xb8;
	[tilespmem:$0x4100] =	vst v63  }
0x20: {  	s15 =	sshll.u32 s11, $0xB;
	s11 =	simm.s32 $0x2100;
	s18 =	smax.u32 s14, $0x1  }
0x21: {  	[tilespmem:s11], [sflag:$0x2] =	stream.indirect.gather [hbm4b:s2+s9], $0x80, s6, s9, $0xb8;
	[tilespmem:$0x4100] =	vst v63  }
0x22: {  	p0 =	sne.s32 s18, $0x1;
	_ =	swait.ge [sflag:s7], $0x2000  }
.Ltmp0:
0x23: {  	s14 =	simm.s32 $0x400;
	[sflag:s7] =	ssyncset.done $0x0;
	(pc) =	sbr.rel @!p0 .LBB2_2-.Ltmp0, $4  }
0x24: {  	s13 =	sadd.s32 s12, s15;
	s15 =	simm.s32 $0x800;
	[sflag:s7] =	ssyncadd.s32 $0xFFFFE000  }
0x25: {  	[hbm4b:s13+s14] =	stream.strided.scatter [tilespmem:s10], [sflag:$0x3], $0x2000, s15, s14, $0x38;
	[tilespmem:$0x4100] =	vst v63  }
0x26: {  	s16 =	simm.s32 $0x3;
	s17 =	simm.s32 $0x4;
	_ =	swait.ge [sflag:s8], $0x2000  }
0x27: {  	s18 =	sadd.s32 $0xFFFFFFFF, s18;
	s12 =	sadd.s32 $0x80, s13;
	[sflag:s8] =	ssyncset.done $0x0  }
.LBB2_1:
0x28: {  	p0 =	sne.s32 s18, $0x1;
	s18 =	sadd.s32 $0xFFFFFFFF, s18;
	[sflag:s8] =	ssyncadd.s32 $0xFFFFE000  }
0x29: {  	[hbm4b:s12+s14] =	stream.strided.scatter [tilespmem:s11], [sflag:$0x4], $0x2000, s15, s14, $0x38;
	[tilespmem:$0x4100] =	vst v63  }
0x2a: {  	_ =	swait.ge [sflag:s16], $0x2000  }
0x2b: {  	[sflag:s16] =	ssyncset.done $0x0  }
0x2c: {  	[sflag:s16] =	ssyncadd.s32 $0xFFFFE000  }
0x2d: {  	_ =	swait.ge [sflag:s17], $0x2000  }
0x2e: {  	[sflag:s17] =	ssyncset.done $0x0  }
0x2f: {  	[sflag:s17] =	ssyncadd.s32 $0xFFFFE000  }
0x30: {  	[tilespmem:s3], [sflag:$0x1] =	stream.linear.gather [hbm4b:s4+s3], $0x40, $0x38;
	[tilespmem:$0x4100] =	vst v63  }
0x31: {  	_ = 	snop  }
0x32: {  	[tilespmem:s6], [sflag:$0x2] =	stream.linear.gather [hbm4b:s5+s3], $0x40, $0x38;
	[tilespmem:$0x4100] =	vst v63  }
0x33: {  	_ =	swait.ge [sflag:s7], $0x40  }
0x34: {  	[sflag:s7] =	ssyncset.done $0x0  }
0x35: {  	[sflag:s7] =	ssyncadd.s32 $0xFFFFFFC0  }
0x36: {  	_ =	swait.ge [sflag:s8], $0x40  }
0x37: {  	[sflag:s8] =	ssyncset.done $0x0  }
0x38: {  	[sflag:s8] =	ssyncadd.s32 $0xFFFFFFC0  }
0x39: {  	v4 =	vld [tilespmem:$0xB0]  }
0x3a: {  	v5 =	vld [tilespmem:$0x30]  }
0x3b: {  	v6 =	vld [tilespmem:$0xA0]  }
0x3c: {  	v7 =	vld [tilespmem:$0x20]  }
0x3d: {  	v8 =	vld [tilespmem:$0x90]  }
0x3e: {  	v9 =	vld [tilespmem:$0x10];
	v4 =	vadd.s32 v0, v4  }
0x3f: {  	v10 =	vld [tilespmem:$0x80];
	v5 =	vadd.s32 v0, v5;
	[tilespmem:$0xB0] =	vst v4  }
0x40: {  	v4 =	vld [tilespmem:$0x0];
	v6 =	vadd.s32 v1, v6;
	[tilespmem:$0x30] =	vst v5  }
0x41: {  	v5 =	vadd.s32 v1, v7;
	[tilespmem:$0xA0] =	vst v6  }
0x42: {  	v6 =	vadd.s32 v2, v8;
	[tilespmem:$0x20] =	vst v5  }
0x43: {  	v5 =	vadd.s32 v2, v9;
	[tilespmem:$0x90] =	vst v6  }
0x44: {  	v6 =	vadd.s32 v3, v10;
	[tilespmem:$0x10] =	vst v5  }
0x45: {  	v4 =	vadd.s32 v3, v4;
	[tilespmem:$0x80] =	vst v6  }
0x46: {  	[tilespmem:$0x0] =	vst v4  }
0x47: {  	[tilespmem:s10], [sflag:$0x1] =	stream.indirect.gather [hbm4b:s2+s9], $0x80, s3, s9, $0xb8;
	[tilespmem:$0x4100] =	vst v63  }
0x48: {  	_ = 	snop  }
0x49: {  	[tilespmem:s11], [sflag:$0x2] =	stream.indirect.gather [hbm4b:s2+s9], $0x80, s6, s9, $0xb8;
	[tilespmem:$0x4100] =	vst v63  }
0x4a: {  	_ =	swait.ge [sflag:s7], $0x2000  }
.Ltmp1:
0x4b: {  	[sflag:s7] =	ssyncset.done $0x0;
	(pc) =	sbr.rel @p0 .LBB2_1-.Ltmp1, $4  }
0x4c: {  	[sflag:s7] =	ssyncadd.s32 $0xFFFFE000  }
0x4d: {  	[hbm4b:s13+s14] =	stream.strided.scatter [tilespmem:s10], [sflag:$0x3], $0x2000, s15, s14, $0x38;
	[tilespmem:$0x4100] =	vst v63  }
0x4e: {  	_ =	swait.ge [sflag:s8], $0x2000  }
0x4f: {  	[sflag:s8] =	ssyncset.done $0x0  }
.LBB2_2:
0x50: {  	[sflag:s8] =	ssyncadd.s32 $0xFFFFE000  }
0x51: {  	[hbm4b:s12+s14] =	stream.strided.scatter [tilespmem:s11], [sflag:$0x4], $0x2000, s15, s14, $0x38;
	[tilespmem:$0x4100] =	vst v63  }
0x52: {  	_ =	swait.ge [sflag:s16], $0x2000  }
0x53: {  	[sflag:s16] =	ssyncset.done $0x0  }
0x54: {  	[sflag:s16] =	ssyncadd.s32 $0xFFFFE000  }
0x55: {  	_ =	swait.ge [sflag:s17], $0x2000  }
0x56: {  	[sflag:s17] =	ssyncset.done $0x0  }
0x57: {  	[sflag:s17] =	ssyncadd.s32 $0xFFFFE000  }
0x58: {  	_ =	sfence.sel $0x180000  }
0x59: {  	[bflag:$0x0] =	sbarrier.arrive $0xFFFF  }
0x5a: {  	p0 =	sne.s32 s0, $0x0;
	_ =	strace $0x90000047  }
0x5b: {  	s0 =	sadd.s32 @!p0 $0x100000, s1;
	[bflag:$0x2] =	sbarrier.arrive $0xFFFF  }
0x5c: {  	[sflag:s0] =	ssyncadd.tile.s32 @!p0 $0x1;
	_ =	shalt  }
.Lfunc_end2:
_tile_overlayer_lowered:
.L_overlay_start_2:
0x5d: {  	(tag) =	ssettag $0x2  }
0x5e: {  	s0 =	rddreg [dreg:$0x0];
	s2 =	stileid.u32  }
0x5f: {  	s1 =	rddreg [dreg:$0x1];
	p0 =	sne.s32 s2, $0x0  }
0x60: {  	s3 =	rddreg [dreg:$0x2];
	[bflag:$0x3] =	sbarrier.arrive $0xFFFF;
	s2 =	simm.s32 @!p0 $0x1C05  }
0x61: {  	[timem:s3], [sflag:s2] =	dma.local @!p0 [hbm:s0], s1  }
0x62: {  	s0 =	simm.s32 @!p0 $0x5  }
0x63: {  	_ =	swait.ge @!p0 [sflag:s0], s1  }
0x64: {  	s1 =	ssub.s32 @!p0 $0x0, s1;
	[sflag:s0] =	ssyncset.done @!p0 $0x0  }
0x65: {  	[sflag:s0] =	ssyncadd.s32 @!p0 s1  }
0x66: {  	[bflag:$0x3] =	sbarrier.arrive $0xFFFF  }
0x67: {  	_ =	shalt  }

// kernel: kernel.9.cloned.1.call-start
scs
__scs_entry_jumppad:
0x0: {  	(pc) =	sbr.rel $0x88, $3  }
0x1: {  	(tag) =	ssettag $0x0;
	lr =	simm.s32 $0x1  }
0x2: {  	[smem:$0x3F9A] =	sst lr;
	_ =	strace $0xD0000000  }
0x3: {  	_ = 	snop  }
0x4: {  	_ = 	snop  }
0x5: {  	_ = 	snop  }
0x6: {  	_ = 	snop  }
0x7: {  	_ = 	snop  }
__scs_overlays_trampoline_lowered:
0x8: {  	[smem:$0x3FA9] =	sst s0  }
0x9: {  	[smem:$0x3FAA] =	sst s1  }
0xa: {  	[smem:$0x3FAB] =	sst s2  }
0xb: {  	[smem:$0x3FAC] =	sst s3  }
0xc: {  	[smem:$0x3FAD] =	sst s4  }
0xd: {  	[smem:$0x3FAE] =	sst s5  }
0xe: {  	[smem:$0x3FAF] =	sst s6  }
0xf: {  	[smem:$0x3FB0] =	sst s7  }
0x10: {  	[smem:$0x3FB1] =	sst s8  }
0x11: {  	[smem:$0x3FB2] =	sst s9;
	s0 =	simm.s32 @!p0 $0x0  }
0x12: {  	s1 =	sld [smem:$0x3F98];
	s0 =	simm.s32 @p0 $0x1  }
0x13: {  	[smem:$0x3FB3] =	sst s0;
	s0 =	simm.s32 @!p1 $0x0  }
0x14: {  	s2 =	sld [smem:$0x3F97];
	s0 =	simm.s32 @p1 $0x1  }
0x15: {  	[smem:$0x3FB4] =	sst s0;
	s0 =	simm.s32 @!p2 $0x0  }
0x16: {  	s3 =	sld [smem:$0x3FDB];
	s0 =	simm.s32 @p2 $0x1  }
0x17: {  	s4 =	simm.s32 $0x1BF5;
	[smem:$0x3FB6] =	sst s0  }
0x18: {  	s0 =	sld [smem:$0x3F99];
	_ =	swait.ge [sflag:s4], $0x0  }
0x19: {  	s7 =	sld [smem:$0x3F9A]  }
0x1a: {  	s8 =	sadd.s32 $0xFFFFE003, lr  }
0x1b: {  	s9 =	sadd.s32 $0xFFFFFEF7, lr;
	s5 =	simm.s32 $0xFFFFFFFF;
	p2 =	slt.u32 s8, $0xFFFFF086  }
0x1c: {  	p1 =	slt.u32 s9, $0xF7A;
	s5 =	simm.s32 @!p2 $0x0  }
0x1d: {  	s5 =	simm.s32 @p1 $0x1;
	p0 =	seq.s32 s7, s2  }
0x1e: {  	s7 =	smul.u32 @!p0 $0xF7A, s2;
	p2 =	seq.s32 @!p0 s5, $0x0  }
0x1f: {  	s9 =	smul.u32 $0xF7A, s1;
	s8 =	simm.s32 @!p0 $0x1BF5;
	p2 =	por !p2, p0  }
0x20: {  	[sflag:s8] =	ssyncset.s32 @!p0 $0xFFFFF086;
	s6 =	sadd.s32 @!p0 s3, s7;
	s7 =	simm.s32 @!p0 $0x108  }
0x21: {  	s3 =	sadd.s32 s3, s9;
	s6 =	sadd.s32 @!p0 $0x88, s6;
	s7 =	simm.s32 @p2 $0x1082  }
0x22: {  	[simem:s7], [sflag:s8] =	dma.local @!p0 [hbm:s6], $0xF7A  }
0x23: {  	s9 =	sor.u32 $0xD0000000, s2;
	s6 =	simm.s32 $0x108;
	_ =	swait.ge @!p0 [sflag:s8], $0x0  }
0x24: {  	s3 =	sadd.s32 $0x88, s3;
	s6 =	simm.s32 @!p1 $0x1082;
	[sflag:s4] =	ssyncset.s32 $0xFFFFF086  }
0x25: {  	[simem:s6], [sflag:s4] =	dma.local [hbm:s3], $0xF7A  }
0x26: {  	[smem:$0x3F9A] =	sst s1;
	(tag) =	ssettag s2;
	_ =	strace s9  }
0x27: {  	s1 =	sld [smem:$0x3FAA]  }
0x28: {  	s2 =	sld [smem:$0x3FAB]  }
0x29: {  	s4 =	sld [smem:$0x3FAD]  }
0x2a: {  	p0 =	seq.s32 s5, $0x0;
	s5 =	sld [smem:$0x3FAE]  }
0x2b: {  	s6 =	sld [smem:$0x3FAF]  }
0x2c: {  	s7 =	sld [smem:$0x3FB0]  }
0x2d: {  	s3 =	simm.s32 $0x108;
	s8 =	sld [smem:$0x3FB1]  }
0x2e: {  	s3 =	simm.s32 @!p0 $0x1082;
	s9 =	sld [smem:$0x3FB2]  }
0x2f: {  	lr =	sadd.s32 s0, s3;
	s0 =	sld [smem:$0x3FA9]  }
0x30: {  	s3 =	sld [smem:$0x3FAC]  }
0x31: {  	[smem:$0x3FB5] =	sst s10  }
0x32: {  	s10 =	sld [smem:$0x3FB3];
	_ =	sdelay $0x3  }
0x33: {  	p0 =	seq.s32 s10, $0x1;
	s10 =	sld [smem:$0x3FB5];
	_ =	sdelay $0x3  }
0x34: {  	[smem:$0x3FB5] =	sst s10  }
0x35: {  	s10 =	sld [smem:$0x3FB4];
	_ =	sdelay $0x3  }
0x36: {  	p1 =	seq.s32 s10, $0x1;
	s10 =	sld [smem:$0x3FB5];
	_ =	sdelay $0x3  }
0x37: {  	[smem:$0x3FB5] =	sst s10  }
0x38: {  	s10 =	sld [smem:$0x3FB6]  }
0x39: {  	_ = 	snop;
	(pc) =	sbr.ind lr, $3  }
0x3a: {  	_ = 	snop  }
0x3b: {  	_ = 	snop  }
0x3c: {  	p2 =	seq.s32 s10, $0x1;
	s10 =	sld [smem:$0x3FB5]  }
0x3d: {  	_ =	shalt  }
0x3e: {  	_ =	shalt  }
0x3f: {  	_ =	shalt  }
0x40: {  	_ =	shalt  }
0x41: {  	_ =	shalt  }
0x42: {  	_ =	shalt  }
0x43: {  	_ =	shalt  }
0x44: {  	_ =	shalt  }
0x45: {  	_ =	shalt  }
0x46: {  	_ =	shalt  }
0x47: {  	_ =	shalt  }
0x48: {  	_ =	shalt  }
0x49: {  	_ =	shalt  }
0x4a: {  	_ =	shalt  }
0x4b: {  	_ =	shalt  }
0x4c: {  	_ =	shalt  }
0x4d: {  	_ =	shalt  }
0x4e: {  	_ =	shalt  }
0x4f: {  	_ =	shalt  }
0x50: {  	_ =	shalt  }
0x51: {  	_ =	shalt  }
0x52: {  	_ =	shalt  }
0x53: {  	_ =	shalt  }
0x54: {  	_ =	shalt  }
0x55: {  	_ =	shalt  }
0x56: {  	_ =	shalt  }
0x57: {  	_ =	shalt  }
0x58: {  	_ =	shalt  }
0x59: {  	_ =	shalt  }
0x5a: {  	_ =	shalt  }
0x5b: {  	_ =	shalt  }
0x5c: {  	_ =	shalt  }
0x5d: {  	_ =	shalt  }
0x5e: {  	_ =	shalt  }
0x5f: {  	_ =	shalt  }
0x60: {  	_ =	shalt  }
0x61: {  	_ =	shalt  }
0x62: {  	_ =	shalt  }
0x63: {  	_ =	shalt  }
0x64: {  	_ =	shalt  }
0x65: {  	_ =	shalt  }
0x66: {  	_ =	shalt  }
0x67: {  	_ =	shalt  }
0x68: {  	_ =	shalt  }
0x69: {  	_ =	shalt  }
0x6a: {  	_ =	shalt  }
0x6b: {  	_ =	shalt  }
0x6c: {  	_ =	shalt  }
0x6d: {  	_ =	shalt  }
0x6e: {  	_ =	shalt  }
0x6f: {  	_ =	shalt  }
0x70: {  	_ =	shalt  }
0x71: {  	_ =	shalt  }
0x72: {  	_ =	shalt  }
0x73: {  	_ =	shalt  }
0x74: {  	_ =	shalt  }
0x75: {  	_ =	shalt  }
0x76: {  	_ =	shalt  }
0x77: {  	_ =	shalt  }
0x78: {  	_ =	shalt  }
0x79: {  	_ =	shalt  }
0x7a: {  	_ =	shalt  }
0x7b: {  	_ =	shalt  }
0x7c: {  	_ =	shalt  }
0x7d: {  	_ =	shalt  }
0x7e: {  	_ =	shalt  }
0x7f: {  	_ =	shalt  }
0x80: {  	_ =	shalt  }
0x81: {  	_ =	shalt  }
0x82: {  	_ =	shalt  }
0x83: {  	_ =	shalt  }
0x84: {  	_ =	shalt  }
0x85: {  	_ =	shalt  }
0x86: {  	_ =	shalt  }
0x87: {  	_ =	shalt  }
.Lfunc_end0:
.L_simem_size_0:
called_computation.1_lowered:
.L_overlay_start_0:
0x88: {  	s2 =	sld [smem:$0x3FD9]  }
0x89: {  	s3 =	sld [smem:$0x3FFE];
	_ =	sdelay $0x1  }
0x8a: {  	s1 =	srdreg.scid  }
0x8b: {  	s0 =	sand.u32 $0x1, s1  }
0x8c: {  	s17 =	sshll.u32 s0, $0xA;
	s2 =	sadd.s32 s3, s2  }
0x8d: {  	s2 =	sadd.s32 s2, s17  }
0x8e: {  	[smem:$0x3FC1] =	sst s2  }
0x8f: {  	_ = 	snop  }
0x90: {  	s18 =	sld [smem:$0x3FC9]  }
0x91: {  	s4 =	sld [smem:$0x3FC4]  }
0x92: {  	s5 =	sld [smem:$0x3FC3];
	(tm) =	ssettm $0x1  }
0x93: {  	s19 =	sld [smem:$0x3FFB];
	_ =	sdelay $0x3  }
0x94: {  	_ =	strace s19  }
0x95: {  	s2 =	sld [smem:$0x3FFC];
	_ =	sdelay $0x3  }
0x96: {  	_ =	strace s2  }
0x97: {  	s2 =	sld [smem:$0x3FFD];
	_ =	sdelay $0x3  }
0x98: {  	_ =	strace s2  }
0x99: {  	_ =	strace $0x8FFFFFFF  }
0x9a: {  	s20 =	sld [smem:$0x3FDB];
	_ =	sdelay $0x1  }
0x9b: {  	s6 =	simm.s32 $_scs_section_size  }
0x9c: {  	s7 =	simm.s32 $_size__tile_overlayer_lowered;
	s8 =	simm.s32 $_tile_overlayer_lowered  }
0x9d: {  	s9 =	simm.s32 $0x1BFF;
	s21 =	sshll.u32 s8, $0x1;
	s6 =	sadd.s32 s6, s20  }
0x9e: {  	s22 =	simm.s32 $0x0;
	s7 =	sshll.u32 s7, $0x1;
	s8 =	sadd.s32 s21, s6  }
0x9f: {  	[timem:s22], [sflag:s9] =	dma.local [hbm:s8], s7  }
0xa0: {  	_ =	swait.ge [sflag:s9], s7  }
0xa1: {  	s7 =	ssub.s32 $0x0, s7;
	[sflag:s9] =	ssyncset.done $0x0  }
0xa2: {  	[sflag:s9] =	ssyncadd.s32 s7;
	_ =	sdelay $0x1  }
0xa3: {  	s23 =	simm.s32 $0x1B8B  }
0xa4: {  	_ =	swait.ge [sflag:s23], $0x1  }
0xa5: {  	[sflag:s23] =	ssyncset.done $0x0  }
0xa6: {  	[sflag:s23] =	ssyncadd.s32 $0xFFFFFFFF  }
0xa7: {  	s7 =	sld [smem:$0x0]  }
0xa8: {  	s8 =	sand.u32 $0xFFFFFFFE, s1  }
0xa9: {  	p0 =	sne.s32 s1, s8  }
0xaa: {  	s8 =	sshll.u32 @p0 s8, $0xE  }
0xab: {  	s8 =	sadd.s32 @p0 $0x11B8D, s8;
	s9 =	sshll.u32 @p0 s7, $0x11  }
0xac: {  	s8 =	sor.u32 @p0 s9, s8  }
0xad: {  	[sflag:s8] =	ssyncadd.remote.s32 @p0 $0x1;
	_ =	sdelay $0x1  }
0xae: {  	s8 =	simm.s32 @p0 $0x1B8D  }
0xaf: {  	_ =	swait.eq @p0 [sflag:s8], $0x1  }
0xb0: {  	[sflag:s8] =	ssyncadd.s32 @p0 $0xFFFFFFFF  }
0xb1: {  	s9 =	sshll.u32 @!p0 s1, $0xE  }
0xb2: {  	s9 =	sor.u32 @!p0 $0x4000, s9;
	s8 =	simm.s32 @!p0 $0x1B8D  }
0xb3: {  	s7 =	sshll.u32 @!p0 s7, $0x11;
	s9 =	sadd.s32 @!p0 $0x11B8D, s9;
	_ =	swait.eq @!p0 [sflag:s8], $0x1  }
0xb4: {  	s7 =	sor.u32 @!p0 s7, s9;
	[sflag:s8] =	ssyncadd.s32 @!p0 $0xFFFFFFFF  }
0xb5: {  	s25 =	simm.s32 $0x1B8E;
	s24 =	sld [smem:$0x3FFE];
	[sflag:s7] =	ssyncadd.remote.s32 @!p0 $0x1  }
0xb6: {  	s26 =	simm.s32 $execute0_lowered;
	[smem:$0x3FD2] =	sst s25  }
0xb7: {  	s8 =	sshll.u32 s26, $0x1;
	_ =	strace $0x80000049;
	[dreg:$0x1] =	wrdreg $0xFFFFFFFF  }
0xb8: {  	s28 =	simm.s32 $_size_execute0_lowered;
	s6 =	sadd.s32 s6, s8;
	[dreg:$0x0] =	wrdreg $0x0  }
0xb9: {  	s8 =	sshll.u32 s28, $0x1;
	[dreg:$0x2] =	wrdreg s6  }
0xba: {  	[dreg:$0x3] =	wrdreg s8  }
0xbb: {  	[dreg:$0x4] =	wrdreg $0xC0  }
0xbc: {  	_ =	task [dreg:s22], $0x5FFFF  }
0xbd: {  	[dreg:$0x1] =	wrdreg $0xFFFFFFFF  }
0xbe: {  	[dreg:$0x0] =	wrdreg $0x60  }
0xbf: {  	[dreg:$0x2] =	wrdreg s18  }
0xc0: {  	[dreg:$0x3] =	wrdreg s4  }
0xc1: {  	[dreg:$0x4] =	wrdreg s5  }
0xc2: {  	[dreg:$0x5] =	wrdreg s24  }
0xc3: {  	[dreg:$0x6] =	wrdreg $0xA  }
0xc4: {  	_ =	task.clear_ibuf [dreg:s22], $0x7FFFF;
	_ =	strace $0x90000049  }
0xc5: {  	s29 =	simm.s32 $0xA;
	_ =	strace $0x8000004B  }
0xc6: {  	_ =	swait.ge [sflag:s29], $0x1  }
0xc7: {  	[sflag:s29] =	ssyncadd.s32 $0xFFFFFFFF  }
0xc8: {  	_ =	strace $0x9000004B  }
0xc9: {  	_ =	sfence  }
0xca: {  	s30 =	sld [smem:$0x0];
	_ =	sdelay $0x2  }
0xcb: {  	s31 =	sshll.u32 s1, $0xD;
	s1 =	sshrl.u32 s1, $0x2  }
0xcc: {  	s4 =	sand.u32 $0x4000, s31;
	s1 =	sadd.s32 s1, s30  }
0xcd: {  	s0 =	sor.u32 s4, s0;
	s1 =	sshll.u32 s1, $0x11  }
0xce: {  	s0 =	sor.u32 s1, s0  }
0xcf: {  	s0 =	sadd.s32 $0x8F2B, s0  }
0xd0: {  	[sflag:s0] =	ssyncadd.remote.s32 $0x1  }
0xd1: {  	_ =	sfence.sel $0xFFFF  }
0xd2: {  	[dreg:$0x0] =	wrdreg $0xFFFFFFFF;
	(pc) =	sbr.abs _section_cstart, $3  }
0xd3: {  	[dreg:$0x1] =	wrdreg $0xFFFFFFFF  }
0xd4: {  	_ =	task.clear_ibuf [dreg:s22], $0x2FFFF;
	_ =	strace $0x9FFFFFFF  }
0xd5: {  	(tm) =	ssettm $0x7FFFFFFF  }
tec
execute0_lowered:
.L_overlay_start_1:
0x0: {  	(tag) =	ssettag $0x1  }
0x1: {  	s1 =	srdreg.scid  }
0x2: {  	s2 =	rddreg [dreg:$0x0];
	s0 =	stileid.u32;
	s9 =	sand.u32 $0x1, s1  }
0x3: {  	s4 =	rddreg [dreg:$0x1];
	s26 =	sshll.u32 s0, $0x7;
	s3 =	sshll.u32 s9, $0x6  }
0x4: {  	s5 =	rddreg [dreg:$0x2];
	s10 =	sor.u32 s3, s26  }
0x5: {  	s11 =	rddreg [dreg:$0x3];
	s3 =	simm.s32 $0x0;
	s12 =	sor.u32 $0x800, s10  }
0x6: {  	[smem:$0x7FF] =	sst s3;
	s6 =	sshrl.u32 s12, $0x3  }
0x7: {  	s1 =	rddreg [dreg:$0x4];
	_ =	strace $0x8000004A;
	s4 =	sadd.s32 s4, s6  }
0x8: {  	[tilespmem:s3], [sflag:$0x1] =	stream.linear.gather [hbm4b:s4+s3], $0x40, $0x38;
	[tilespmem:$0x4100] =	vst v63  }
0x9: {  	s7 =	simm.s32 $0x1;
	s5 =	sadd.s32 s5, s6;
	s6 =	simm.s32 $0x80  }
0xa: {  	[tilespmem:s6], [sflag:$0x2] =	stream.linear.gather [hbm4b:s5+s3], $0x40, $0x38;
	[tilespmem:$0x4100] =	vst v63  }
0xb: {  	_ =	swait.ge [sflag:s7], $0x40  }
0xc: {  	[sflag:s7] =	ssyncset.done $0x0  }
0xd: {  	s8 =	simm.s32 $0x2;
	[sflag:s7] =	ssyncadd.s32 $0xFFFFFFC0  }
0xe: {  	_ =	swait.ge [sflag:s8], $0x40  }
0xf: {  	[sflag:s8] =	ssyncset.done $0x0  }
0x10: {  	[sflag:s8] =	ssyncadd.s32 $0xFFFFFFC0  }
0x11: {  	v1 =	vld [tilespmem:$0xB0]  }
0x12: {  	v0 =	vlaneseq.u32;
	s13 =	smul.u32 $0xC8, s10;
	v2 =	vld [tilespmem:$0x30]  }
0x13: {  	v3 =	vmul.u32 $0xC8, v0;
	v4 =	vld [tilespmem:$0xA0]  }
0x14: {  	s14 =	sadd.s32 $0x66580, s13;
	v5 =	vld [tilespmem:$0x20]  }
0x15: {  	v0 =	vadd.s32 s14, v3;
	v6 =	vld [tilespmem:$0x90]  }
0x16: {  	s28 =	sadd.s32 $0x65900, s13;
	v7 =	vld [tilespmem:$0x10];
	v8 =	vadd.s32 v0, v1  }
0x17: {  	v9 =	vld [tilespmem:$0x80];
	v1 =	vadd.s32 s28, v3;
	v2 =	vadd.s32 v0, v2;
	[tilespmem:$0xB0] =	vst v8  }
0x18: {  	s13 =	sadd.s32 $0x64C80, s13;
	v63 =	vld [tilespmem:$0x0];
	v4 =	vadd.s32 v1, v4;
	[tilespmem:$0x30] =	vst v2  }
0x19: {  	s12 =	smul.u32 $0xC8, s12;
	v2 =	vadd.s32 s13, v3;
	v5 =	vadd.s32 v1, v5;
	[tilespmem:$0xA0] =	vst v4  }
0x1a: {  	v4 =	vadd.s32 v2, v6;
	[tilespmem:$0x20] =	vst v5  }
0x1b: {  	v3 =	vadd.s32 s12, v3;
	v5 =	vadd.s32 v2, v7;
	[tilespmem:$0x90] =	vst v4  }
0x1c: {  	s30 =	ssub.s32 $0x2, s9;
	v4 =	vadd.s32 v3, v9;
	[tilespmem:$0x10] =	vst v5  }
0x1d: {  	s9 =	simm.s32 $0x40;
	s31 =	sshrl.u32 s30, $0x1;
	v5 =	vadd.s32 v3, v63;
	[tilespmem:$0x80] =	vst v4  }
0x1e: {  	s29 =	sshll.u32 s10, $0x5;
	s10 =	simm.s32 $0x100;
	s14 =	ssub.s32 s30, s31;
	[tilespmem:$0x0] =	vst v5  }
0x1f: {  	[tilespmem:s10], [sflag:$0x1] =	stream.indirect.gather [hbm4b:s2+s9], $0x80, s3, s9, $0xb8;
	[tilespmem:$0x4100] =	vst v63  }
0x20: {  	s18 =	smax.u32 s14, $0x1;
	s12 =	sadd.s32 s29, s11;
	s11 =	simm.s32 $0x2100  }
0x21: {  	[tilespmem:s11], [sflag:$0x2] =	stream.indirect.gather [hbm4b:s2+s9], $0x80, s6, s9, $0xb8;
	[tilespmem:$0x4100] =	vst v63  }
0x22: {  	p0 =	sne.s32 s18, $0x1;
	_ =	swait.ge [sflag:s7], $0x2000  }
.Ltmp0:
0x23: {  	s15 =	simm.s32 $0x800;
	[sflag:s7] =	ssyncset.done $0x0;
	(pc) =	sbr.rel @!p0 .LBB2_2-.Ltmp0, $4  }
0x24: {  	s14 =	simm.s32 $0x400;
	s13 =	sadd.s32 $0x1400, s12;
	[sflag:s7] =	ssyncadd.s32 $0xFFFFE000  }
0x25: {  	[hbm4b:s13+s14] =	stream.strided.scatter [tilespmem:s10], [sflag:$0x3], $0x2000, s15, s14, $0x38;
	[tilespmem:$0x4100] =	vst v63  }
0x26: {  	s16 =	simm.s32 $0x3;
	s17 =	simm.s32 $0x4;
	_ =	swait.ge [sflag:s8], $0x2000  }
0x27: {  	s18 =	sadd.s32 $0xFFFFFFFF, s18;
	s12 =	sadd.s32 $0x1480, s12;
	[sflag:s8] =	ssyncset.done $0x0  }
.LBB2_1:
0x28: {  	p0 =	sne.s32 s18, $0x1;
	s18 =	sadd.s32 $0xFFFFFFFF, s18;
	[sflag:s8] =	ssyncadd.s32 $0xFFFFE000  }
0x29: {  	[hbm4b:s12+s14] =	stream.strided.scatter [tilespmem:s11], [sflag:$0x4], $0x2000, s15, s14, $0x38;
	[tilespmem:$0x4100] =	vst v63  }
0x2a: {  	_ =	swait.ge [sflag:s16], $0x2000  }
0x2b: {  	[sflag:s16] =	ssyncset.done $0x0  }
0x2c: {  	[sflag:s16] =	ssyncadd.s32 $0xFFFFE000  }
0x2d: {  	_ =	swait.ge [sflag:s17], $0x2000  }
0x2e: {  	[sflag:s17] =	ssyncset.done $0x0  }
0x2f: {  	[sflag:s17] =	ssyncadd.s32 $0xFFFFE000  }
0x30: {  	[tilespmem:s3], [sflag:$0x1] =	stream.linear.gather [hbm4b:s4+s3], $0x40, $0x38;
	[tilespmem:$0x4100] =	vst v63  }
0x31: {  	_ = 	snop  }
0x32: {  	[tilespmem:s6], [sflag:$0x2] =	stream.linear.gather [hbm4b:s5+s3], $0x40, $0x38;
	[tilespmem:$0x4100] =	vst v63  }
0x33: {  	_ =	swait.ge [sflag:s7], $0x40  }
0x34: {  	[sflag:s7] =	ssyncset.done $0x0  }
0x35: {  	[sflag:s7] =	ssyncadd.s32 $0xFFFFFFC0  }
0x36: {  	_ =	swait.ge [sflag:s8], $0x40  }
0x37: {  	[sflag:s8] =	ssyncset.done $0x0  }
0x38: {  	[sflag:s8] =	ssyncadd.s32 $0xFFFFFFC0  }
0x39: {  	v4 =	vld [tilespmem:$0xB0]  }
0x3a: {  	v5 =	vld [tilespmem:$0x30]  }
0x3b: {  	v6 =	vld [tilespmem:$0xA0]  }
0x3c: {  	v7 =	vld [tilespmem:$0x20]  }
0x3d: {  	v8 =	vld [tilespmem:$0x90]  }
0x3e: {  	v9 =	vld [tilespmem:$0x10];
	v4 =	vadd.s32 v0, v4  }
0x3f: {  	v10 =	vld [tilespmem:$0x80];
	v5 =	vadd.s32 v0, v5;
	[tilespmem:$0xB0] =	vst v4  }
0x40: {  	v4 =	vld [tilespmem:$0x0];
	v6 =	vadd.s32 v1, v6;
	[tilespmem:$0x30] =	vst v5  }
0x41: {  	v5 =	vadd.s32 v1, v7;
	[tilespmem:$0xA0] =	vst v6  }
0x42: {  	v6 =	vadd.s32 v2, v8;
	[tilespmem:$0x20] =	vst v5  }
0x43: {  	v5 =	vadd.s32 v2, v9;
	[tilespmem:$0x90] =	vst v6  }
0x44: {  	v6 =	vadd.s32 v3, v10;
	[tilespmem:$0x10] =	vst v5  }
0x45: {  	v4 =	vadd.s32 v3, v4;
	[tilespmem:$0x80] =	vst v6  }
0x46: {  	[tilespmem:$0x0] =	vst v4  }
0x47: {  	[tilespmem:s10], [sflag:$0x1] =	stream.indirect.gather [hbm4b:s2+s9], $0x80, s3, s9, $0xb8;
	[tilespmem:$0x4100] =	vst v63  }
0x48: {  	_ = 	snop  }
0x49: {  	[tilespmem:s11], [sflag:$0x2] =	stream.indirect.gather [hbm4b:s2+s9], $0x80, s6, s9, $0xb8;
	[tilespmem:$0x4100] =	vst v63  }
0x4a: {  	_ =	swait.ge [sflag:s7], $0x2000  }
.Ltmp1:
0x4b: {  	[sflag:s7] =	ssyncset.done $0x0;
	(pc) =	sbr.rel @p0 .LBB2_1-.Ltmp1, $4  }
0x4c: {  	[sflag:s7] =	ssyncadd.s32 $0xFFFFE000  }
0x4d: {  	[hbm4b:s13+s14] =	stream.strided.scatter [tilespmem:s10], [sflag:$0x3], $0x2000, s15, s14, $0x38;
	[tilespmem:$0x4100] =	vst v63  }
0x4e: {  	_ =	swait.ge [sflag:s8], $0x2000  }
0x4f: {  	[sflag:s8] =	ssyncset.done $0x0  }
.LBB2_2:
0x50: {  	[sflag:s8] =	ssyncadd.s32 $0xFFFFE000  }
0x51: {  	[hbm4b:s12+s14] =	stream.strided.scatter [tilespmem:s11], [sflag:$0x4], $0x2000, s15, s14, $0x38;
	[tilespmem:$0x4100] =	vst v63  }
0x52: {  	_ =	swait.ge [sflag:s16], $0x2000  }
0x53: {  	[sflag:s16] =	ssyncset.done $0x0  }
0x54: {  	[sflag:s16] =	ssyncadd.s32 $0xFFFFE000  }
0x55: {  	_ =	swait.ge [sflag:s17], $0x2000  }
0x56: {  	[sflag:s17] =	ssyncset.done $0x0  }
0x57: {  	[sflag:s17] =	ssyncadd.s32 $0xFFFFE000  }
0x58: {  	_ =	sfence.sel $0x180000  }
0x59: {  	[bflag:$0x0] =	sbarrier.arrive $0xFFFF  }
0x5a: {  	p0 =	sne.s32 s0, $0x0;
	_ =	strace $0x9000004A  }
0x5b: {  	s0 =	sadd.s32 @!p0 $0x100000, s1;
	[bflag:$0x2] =	sbarrier.arrive $0xFFFF  }
0x5c: {  	[sflag:s0] =	ssyncadd.tile.s32 @!p0 $0x1;
	_ =	shalt  }
.Lfunc_end2:
_tile_overlayer_lowered:
.L_overlay_start_2:
0x5d: {  	(tag) =	ssettag $0x2  }
0x5e: {  	s0 =	rddreg [dreg:$0x0];
	s2 =	stileid.u32  }
0x5f: {  	s1 =	rddreg [dreg:$0x1];
	p0 =	sne.s32 s2, $0x0  }
0x60: {  	s3 =	rddreg [dreg:$0x2];
	[bflag:$0x3] =	sbarrier.arrive $0xFFFF;
	s2 =	simm.s32 @!p0 $0x1C05  }
0x61: {  	[timem:s3], [sflag:s2] =	dma.local @!p0 [hbm:s0], s1  }
0x62: {  	s0 =	simm.s32 @!p0 $0x5  }
0x63: {  	_ =	swait.ge @!p0 [sflag:s0], s1  }
0x64: {  	s1 =	ssub.s32 @!p0 $0x0, s1;
	[sflag:s0] =	ssyncset.done @!p0 $0x0  }
0x65: {  	[sflag:s0] =	ssyncadd.s32 @!p0 s1  }
0x66: {  	[bflag:$0x3] =	sbarrier.arrive $0xFFFF  }
0x67: {  	_ =	shalt  }

</sc_bundles>
